<compile_context>
chip_gen: v7x
topology: tpu7x:2x2x1
jax: 0.10.2.dev20260603
libtpu: 0.0.44.dev20260713+nightly
codegen_flags: <defaults>
</compile_context>

<pallas_src>
import functools

import jax
import jax.numpy as jnp
from jax import lax
from jax.experimental import pallas as pl
from jax.experimental.pallas import tpu as pltpu
from jax.experimental.pallas import tpu_sc as plsc

N_NODES = 10000
N_EDGES = 160000
D_HALF = 128
NC = 2
NS = 16
L = 16

E_PER_TILE = N_EDGES // NS
CHUNK = 80
N_CHUNKS = E_PER_TILE // CHUNK
STAGE = 25
N_STAGE = N_CHUNKS // STAGE
RBLK = 80


def _mm_body(x_ref, w_ref, o_ref):
    o_ref[...] = jnp.dot(x_ref[...], w_ref[...],
                         preferred_element_type=jnp.float32)


def _support_split(features, weight):
    grid = (2, 10)
    return pl.pallas_call(
        _mm_body,
        grid=grid,
        in_specs=[
            pl.BlockSpec((1000, 256), lambda j, i: (i, 0)),
            pl.BlockSpec((256, 128), lambda j, i: (0, j)),
        ],
        out_specs=pl.BlockSpec((1000, 128), lambda j, i: (j * 10 + i, 0)),
        out_shape=jax.ShapeDtypeStruct((2 * N_NODES, D_HALF), jnp.float32),
    )(features, weight)


@functools.partial(
    pl.kernel,
    mesh=plsc.VectorSubcoreMesh(core_axis_name="c", subcore_axis_name="s"),
    out_type=jax.ShapeDtypeStruct((N_NODES, NC * D_HALF), jnp.float32),
    scratch_types=[
        pltpu.VMEM((STAGE, CHUNK), jnp.int32),
        pltpu.VMEM((STAGE, CHUNK), jnp.int32),
        pltpu.VMEM((STAGE, CHUNK), jnp.float32),
        pltpu.VMEM((CHUNK, D_HALF), jnp.float32),
        pltpu.VMEM_SHARED((N_NODES, D_HALF), jnp.float32),
        pltpu.SemaphoreType.DMA,
    ],
)
def _sc_aggregate(support_hbm, src_hbm, dst_hbm, w_hbm, out_hbm,
                  src_v, dst_v, w_v, gbuf, acc, sem):
    c = lax.axis_index("c")
    s = lax.axis_index("s")

    zeros16 = jnp.zeros((L,), jnp.float32)

    def _zero_body(k, _):
        r = k // (D_HALF // L)
        v = k % (D_HALF // L)
        gbuf[r, pl.ds(v * L, L)] = zeros16
        return 0

    lax.fori_loop(0, RBLK * (D_HALF // L), _zero_body, 0)
    base = s * (8 * RBLK)
    nblk = jnp.where(s == NS - 1, 5, 8)

    def _zero_copy(i, _):
        st = pl.multiple_of(base + i * RBLK, 8)
        pltpu.sync_copy(gbuf, acc.at[pl.ds(st, RBLK)])
        return 0

    lax.fori_loop(0, nblk, _zero_copy, 0)
    plsc.subcore_barrier()

    def _stage_body(b, _):
        pltpu.sync_copy(src_hbm.at[c, s, b], src_v)
        pltpu.sync_copy(dst_hbm.at[s, b], dst_v)
        pltpu.sync_copy(w_hbm.at[s, b], w_v)

        def _chunk_body(j, _):
            pltpu.async_copy(support_hbm.at[src_v.at[j]], gbuf, sem).wait()

            def _scale_group(g, _):
                wvec = w_v[j, pl.ds(g * L, L)]
                for e2 in range(L):
                    e = g * L + e2
                    wv = jnp.full((L,), wvec[e2], jnp.float32)
                    for v in range(D_HALF // L):
                        sl = pl.ds(v * L, L)
                        gbuf[e, sl] = gbuf[e, sl] * wv
                return 0

            lax.fori_loop(0, CHUNK // L, _scale_group, 0)
            pltpu.sync_copy(gbuf, acc.at[dst_v.at[j]], add=True)
            return 0

        lax.fori_loop(0, STAGE, _chunk_body, 0)
        return 0

    lax.fori_loop(0, N_STAGE, _stage_body, 0)
    plsc.subcore_barrier()

    def _out_copy(i, _):
        st = pl.multiple_of(base + i * RBLK, 8)
        pltpu.sync_copy(acc.at[pl.ds(st, RBLK)],
                        out_hbm.at[pl.ds(st, RBLK),
                                   pl.ds(pl.multiple_of(c * D_HALF, 128),
                                         D_HALF)])
        return 0

    lax.fori_loop(0, nblk, _out_copy, 0)


def kernel(features, adj_edge_index, adj_edge_weight, weight):
    dst = adj_edge_index[0].astype(jnp.int32)
    src = adj_edge_index[1].astype(jnp.int32)
    support = _support_split(features, weight)
    src2 = jnp.stack([src, src + N_NODES]).reshape(
        NC, NS, N_STAGE, STAGE, CHUNK)
    dst3 = dst.reshape(NS, N_STAGE, STAGE, CHUNK)
    w3 = adj_edge_weight.reshape(NS, N_STAGE, STAGE, CHUNK)
    return _sc_aggregate(support, src2, dst3, w3)

# --- scband reference (transcript-rebuilt; emitter-appended) ---
"""Pipeline reference for scband-gnnlayer-8169027797480 (READ-ONLY COPY).

The authoritative reference and input builder live on the scoring server;
editing this copy changes nothing except your own understanding.
"""

import jax, jax.numpy as jnp
import numpy as np

N_NODES = 10000
N_EDGES = 160000
IN_FEATURES = 256
OUT_FEATURES = 256


def setup_inputs(seed: int = 0) -> dict:
    key = jax.random.key(seed)
    k1, k2, k3, k4 = jax.random.split(key, 4)
    features = jax.random.normal(k1, (N_NODES, IN_FEATURES), dtype=jnp.float32)
    adj_edge_index = jax.random.randint(k2, (2, N_EDGES), 0, N_NODES, dtype=jnp.int64)
    adj_edge_weight = jax.random.uniform(k3, (N_EDGES,), dtype=jnp.float32)
    # xavier_uniform init for weight [in_features, out_features]
    limit = float(np.sqrt(6.0 / (IN_FEATURES + OUT_FEATURES)))
    weight = jax.random.uniform(k4, (IN_FEATURES, OUT_FEATURES), dtype=jnp.float32, minval=-limit, maxval=limit)
    return {
        'features': features,
        'adj_edge_index': adj_edge_index,
        'adj_edge_weight': adj_edge_weight,
        'weight': weight,
    }


def reference(features, adj_edge_index, adj_edge_weight, weight):
    # support = features @ W  (torch.mm)
    support = features @ weight
    # output = spmm(adj, support): sparse adjacency given in COO form
    # row i of output = sum over edges (i <- j) of adj[i, j] * support[j]
    dst = adj_edge_index[0]  # output row index
    src = adj_edge_index[1]  # gathered column index
    msgs = support[src] * adj_edge_weight[:, None]
    output = jax.ops.segment_sum(msgs, dst, num_segments=features.shape[0])
    # active=False path: no ReLU
    return output

if __name__ == "__main__":
    import jax
    _d = setup_inputs()
    print(jax.jit(kernel)(*tuple(_d.values())))

</pallas_src>

<mosaic_0001>
#map = affine_map<(d0, d1) -> (0, 0)>
#map1 = affine_map<(d0, d1) -> (0, 0, 0, 0, 0)>
#map2 = affine_map<(d0, d1) -> (0, 0, 0, 0)>
module attributes {stable_mosaic.version = 14 : i64} {
  func.func @_sc_aggregate(%arg0: i32, %arg1: i32, %arg2: memref<20000x128xf32, #tpu.memory_space<hbm>>, %arg3: memref<2x16x5x25x80xi32, #tpu.memory_space<hbm>>, %arg4: memref<16x5x25x80xi32, #tpu.memory_space<hbm>>, %arg5: memref<16x5x25x80xf32, #tpu.memory_space<hbm>>, %arg6: memref<10000x256xf32, #tpu.memory_space<hbm>>, %arg7: memref<25x80xi32, #tpu.memory_space<vmem>>, %arg8: memref<25x80xi32, #tpu.memory_space<vmem>>, %arg9: memref<25x80xf32, #tpu.memory_space<vmem>>, %arg10: memref<80x128xf32, #tpu.memory_space<vmem>>, %arg11: memref<10000x128xf32, #tpu.memory_space<vmem_shared>>, %arg12: memref<!tpu.dma_semaphore, #tpu.memory_space<semaphore_mem>>) attributes {dimension_semantics = [#tpu.dimension_semantics<core_parallel>, #tpu.dimension_semantics<subcore_parallel>], iteration_bounds = array<i64: 2, 16>, scalar_prefetch = 0 : i64, scratch_operands = 6 : i64, tpu.core_type = #tpu.core_type<sc_vector_subcore>, window_params = [{transform_indices = #map}, {transform_indices = #map1}, {transform_indices = #map2}, {transform_indices = #map2}, {transform_indices = #map}]} {
    %broadcast_in_dim3A = arith.constant 0.000000e+00 : f32
    %broadcast_in_dim3A_0 = vector.broadcast %broadcast_in_dim3A : f32 to vector<16xf32>
    %scan3A = arith.constant 0 : i32
    %scan3A_1 = arith.constant 0 : i32
    %scan3A_2 = arith.constant 640 : i32
    %scan3A_3 = arith.addi %scan3A_1, %scan3A_2 : i32
    %scan3A_4 = arith.constant 1 : i32
    %scan3A_5 = scf.for %scan3A_41 = %scan3A_1 to %scan3A_3 step %scan3A_4 iter_args(%scan3A_42 = %scan3A) -> (i32)  : i32 {
      %jit3A_43 = arith.constant 8 : i32
      %div3A = arith.divsi %scan3A_41, %jit3A_43 : i32
      %sign3A = arith.constant 0 : i32
      %sign3A_44 = arith.cmpi sgt, %scan3A_41, %sign3A : i32
      %sign3A_45 = arith.extui %sign3A_44 : i1 to i32
      %sign3A_46 = arith.constant 0 : i32
      %sign3A_47 = arith.cmpi slt, %scan3A_41, %sign3A_46 : i32
      %sign3A_48 = arith.extui %sign3A_47 : i1 to i32
      %sign3A_49 = arith.subi %sign3A_45, %sign3A_48 : i32
      %sign3A_50 = arith.constant 0 : i32
      %sign3A_51 = arith.cmpi sgt, %jit3A_43, %sign3A_50 : i32
      %sign3A_52 = arith.extui %sign3A_51 : i1 to i32
      %sign3A_53 = arith.constant 0 : i32
      %sign3A_54 = arith.cmpi slt, %jit3A_43, %sign3A_53 : i32
      %sign3A_55 = arith.extui %sign3A_54 : i1 to i32
      %sign3A_56 = arith.subi %sign3A_52, %sign3A_55 : i32
      %ne3A = arith.cmpi ne, %sign3A_49, %sign3A_56 : i32
      %rem3A = arith.remsi %scan3A_41, %jit3A_43 : i32
      %ne3A_57 = arith.constant 0 : i32
      %ne3A_58 = arith.cmpi ne, %rem3A, %ne3A_57 : i32
      %and3A = arith.andi %ne3A, %ne3A_58 : i1
      %sub3A = arith.constant 1 : i32
      %sub3A_59 = arith.subi %div3A, %sub3A : i32
      %select_n3A_60 = arith.select %and3A, %sub3A_59, %div3A : i32
      %jit3A_61 = arith.constant 8 : i32
      %eq3A_62 = arith.constant 0 : i32
      %eq3A_63 = arith.cmpi eq, %jit3A_61, %eq3A_62 : i32
      %jit3A_64 = arith.constant 1 : i32
      %select_n3A_65 = arith.select %eq3A_63, %jit3A_64, %jit3A_61 : i32
      %rem3A_66 = arith.remsi %scan3A_41, %select_n3A_65 : i32
      %ne3A_67 = arith.constant 0 : i32
      %ne3A_68 = arith.cmpi ne, %rem3A_66, %ne3A_67 : i32
      %lt3A = arith.constant 0 : i32
      %lt3A_69 = arith.cmpi slt, %rem3A_66, %lt3A : i32
      %lt3A_70 = arith.constant 0 : i32
      %lt3A_71 = arith.cmpi slt, %select_n3A_65, %lt3A_70 : i32
      %ne3A_72 = arith.xori %lt3A_69, %lt3A_71 : i1
      %and3A_73 = arith.andi %ne3A_72, %ne3A_68 : i1
      %add3A = arith.addi %rem3A_66, %select_n3A_65 : i32
      %select_n3A_74 = arith.select %and3A_73, %add3A, %rem3A_66 : i32
      %mul3A_75 = arith.constant 16 : i32
      %mul3A_76 = arith.muli %select_n3A_74, %mul3A_75 : i32
      %swap3A = arith.index_cast %select_n3A_60 : i32 to index
      %swap3A_77 = arith.index_cast %mul3A_76 : i32 to index
      %swap3A_78 = tpu.vector_load %arg10[%swap3A, %swap3A_77] {strides = array<i32>} : memref<80x128xf32, #tpu.memory_space<vmem>>, vector<1x16xf32>,
      %swap3A_79 = vector.shape_cast %swap3A_78 : vector<1x16xf32> to vector<16xf32>
      %swap3A_80 = vector.shape_cast %broadcast_in_dim3A_0 : vector<16xf32> to vector<1x16xf32>
      tpu.vector_store %arg10[%swap3A, %swap3A_77], %swap3A_80 {strides = array<i32>} : memref<80x128xf32, #tpu.memory_space<vmem>>, vector<1x16xf32>,
      %scan3A_81 = arith.constant 0 : i32
      scf.yield %scan3A_81 : i32
    }
    %scan3A_6 = arith.constant 640 : i32
    %mul3A = arith.constant 640 : i32
    %mul3A_7 = arith.muli %arg1, %mul3A : i32
    %eq3A = arith.constant 15 : i32
    %eq3A_8 = arith.cmpi eq, %arg1, %eq3A : i32
    %jit3A = arith.constant 5 : i32
    %jit3A_9 = arith.constant 8 : i32
    %select_n3A = arith.select %eq3A_8, %jit3A, %jit3A_9 : i32
    %while3A = arith.constant 0 : i32
    %while3A_10 = arith.constant 0 : i32
    %while3A_11 = arith.subi %select_n3A, %while3A : i32
    %while3A_12 = arith.addi %while3A, %while3A_11 : i32
    %while3A_13 = arith.constant 1 : i32
    %while3A_14 = arith.divsi %while3A_11, %while3A_13 : i32
    %while3A_15 = arith.muli %while3A_14, %while3A_13 : i32
    %while3A_16 = arith.addi %while3A, %while3A_15 : i32
    %while3A_17 = arith.constant 1 : i32
    %while3A_18 = scf.for %while3A_41 = %while3A to %while3A_16 step %while3A_17 iter_args(%while3A_42 = %while3A_10) -> (i32)  : i32 {
      %mul3A_43 = arith.constant 80 : i32
      %mul3A_44 = arith.muli %while3A_41, %mul3A_43 : i32
      %add3A = arith.addi %mul3A_7, %mul3A_44 : i32
      %multiple_of3A = tpu.assume_multiple %add3A, 8 : i32
      "tpu.region"() ({
        %run_scoped3A = tpu.sem_alloc : memref<!tpu.dma_semaphore, #tpu.memory_space<semaphore_mem>>
        %dma_start3A = arith.constant 0 : i32
        %dma_start3A_46 = tpu.memref_slice %arg11[%multiple_of3A, %dma_start3A] : memref<10000x128xf32, #tpu.memory_space<vmem_shared>> -> memref<80x128xf32, #tpu.memory_space<vmem_shared>>
        %dma_start3A_47 = arith.constant 0 : i32
        %dma_start3A_48 = tpu.memref_slice %arg11[%multiple_of3A, %dma_start3A_47] : memref<10000x128xf32, #tpu.memory_space<vmem_shared>> -> memref<80x128xf32, #tpu.memory_space<vmem_shared>>
        tpu.enqueue_dma source(%arg10 : memref<80x128xf32, #tpu.memory_space<vmem>>) target(%dma_start3A_48 : memref<80x128xf32, #tpu.memory_space<vmem_shared>>) target_semaphore(%run_scoped3A : memref<!tpu.dma_semaphore, #tpu.memory_space<semaphore_mem>>)
        %dma_wait3A = arith.constant 0 : i32
        %dma_wait3A_49 = tpu.memref_slice %arg11[%multiple_of3A, %dma_wait3A] : memref<10000x128xf32, #tpu.memory_space<vmem_shared>> -> memref<80x128xf32, #tpu.memory_space<vmem_shared>>
        %dma_wait3A_50 = arith.constant 0 : i32
        %dma_wait3A_51 = tpu.memref_slice %arg11[%multiple_of3A, %dma_wait3A_50] : memref<10000x128xf32, #tpu.memory_space<vmem_shared>> -> memref<80x128xf32, #tpu.memory_space<vmem_shared>>
        tpu.wait_dma2 semaphore(%run_scoped3A : memref<!tpu.dma_semaphore, #tpu.memory_space<semaphore_mem>>) src(%arg10 : memref<80x128xf32, #tpu.memory_space<vmem>>) dst(%dma_wait3A_51 : memref<80x128xf32, #tpu.memory_space<vmem_shared>>)
        tpu.yield
      }) : () -> ()
      %while3A_45 = arith.constant 0 : i32
      scf.yield %while3A_45 : i32
    }
    %while3A_19 = arith.constant 1 : i32
    %while3A_20 = scf.for %while3A_41 = %while3A_16 to %while3A_12 step %while3A_19 iter_args(%while3A_42 = %while3A_18) -> (i32)  : i32 {
      %mul3A_43 = arith.constant 80 : i32
      %mul3A_44 = arith.muli %while3A_41, %mul3A_43 : i32
      %add3A = arith.addi %mul3A_7, %mul3A_44 : i32
      %multiple_of3A = tpu.assume_multiple %add3A, 8 : i32
      "tpu.region"() ({
        %run_scoped3A = tpu.sem_alloc : memref<!tpu.dma_semaphore, #tpu.memory_space<semaphore_mem>>
        %dma_start3A = arith.constant 0 : i32
        %dma_start3A_46 = tpu.memref_slice %arg11[%multiple_of3A, %dma_start3A] : memref<10000x128xf32, #tpu.memory_space<vmem_shared>> -> memref<80x128xf32, #tpu.memory_space<vmem_shared>>
        %dma_start3A_47 = arith.constant 0 : i32
        %dma_start3A_48 = tpu.memref_slice %arg11[%multiple_of3A, %dma_start3A_47] : memref<10000x128xf32, #tpu.memory_space<vmem_shared>> -> memref<80x128xf32, #tpu.memory_space<vmem_shared>>
        tpu.enqueue_dma source(%arg10 : memref<80x128xf32, #tpu.memory_space<vmem>>) target(%dma_start3A_48 : memref<80x128xf32, #tpu.memory_space<vmem_shared>>) target_semaphore(%run_scoped3A : memref<!tpu.dma_semaphore, #tpu.memory_space<semaphore_mem>>)
        %dma_wait3A = arith.constant 0 : i32
        %dma_wait3A_49 = tpu.memref_slice %arg11[%multiple_of3A, %dma_wait3A] : memref<10000x128xf32, #tpu.memory_space<vmem_shared>> -> memref<80x128xf32, #tpu.memory_space<vmem_shared>>
        %dma_wait3A_50 = arith.constant 0 : i32
        %dma_wait3A_51 = tpu.memref_slice %arg11[%multiple_of3A, %dma_wait3A_50] : memref<10000x128xf32, #tpu.memory_space<vmem_shared>> -> memref<80x128xf32, #tpu.memory_space<vmem_shared>>
        tpu.wait_dma2 semaphore(%run_scoped3A : memref<!tpu.dma_semaphore, #tpu.memory_space<semaphore_mem>>) src(%arg10 : memref<80x128xf32, #tpu.memory_space<vmem>>) dst(%dma_wait3A_51 : memref<80x128xf32, #tpu.memory_space<vmem_shared>>)
        tpu.yield
      }) : () -> ()
      %while3A_45 = arith.constant 0 : i32
      scf.yield %while3A_45 : i32
    }
    %barrier3A = arith.constant 0 : index
    tpu.barrier barrier_id(%barrier3A)
    %scan3A_21 = arith.constant 0 : i32
    %scan3A_22 = arith.constant 0 : i32
    %scan3A_23 = arith.constant 5 : i32
    %scan3A_24 = arith.addi %scan3A_22, %scan3A_23 : i32
    %scan3A_25 = arith.constant 1 : i32
    %scan3A_26 = scf.for %scan3A_41 = %scan3A_22 to %scan3A_24 step %scan3A_25 iter_args(%scan3A_42 = %scan3A_21) -> (i32)  : i32 {
      "tpu.region"() ({
        %run_scoped3A = tpu.sem_alloc : memref<!tpu.dma_semaphore, #tpu.memory_space<semaphore_mem>>
        %dma_start3A = arith.constant 0 : i32
        %dma_start3A_51 = arith.constant 0 : i32
        %dma_start3A_52 = tpu.memref_slice %arg3[%arg0, %arg1, %scan3A_41, %dma_start3A, %dma_start3A_51] : memref<2x16x5x25x80xi32, #tpu.memory_space<hbm>> -> memref<1x1x1x25x80xi32, #tpu.memory_space<hbm>>
        %dma_start3A_53 = tpu.memref_squeeze %dma_start3A_52 : memref<1x1x1x25x80xi32, #tpu.memory_space<hbm>> -> memref<25x80xi32, #tpu.memory_space<hbm>>
        %dma_start3A_54 = arith.constant 0 : i32
        %dma_start3A_55 = arith.constant 0 : i32
        %dma_start3A_56 = tpu.memref_slice %arg3[%arg0, %arg1, %scan3A_41, %dma_start3A_54, %dma_start3A_55] : memref<2x16x5x25x80xi32, #tpu.memory_space<hbm>> -> memref<1x1x1x25x80xi32, #tpu.memory_space<hbm>>
        %dma_start3A_57 = tpu.memref_squeeze %dma_start3A_56 : memref<1x1x1x25x80xi32, #tpu.memory_space<hbm>> -> memref<25x80xi32, #tpu.memory_space<hbm>>
        tpu.enqueue_dma source(%dma_start3A_57 : memref<25x80xi32, #tpu.memory_space<hbm>>) target(%arg7 : memref<25x80xi32, #tpu.memory_space<vmem>>) target_semaphore(%run_scoped3A : memref<!tpu.dma_semaphore, #tpu.memory_space<semaphore_mem>>)
        %dma_wait3A = arith.constant 0 : i32
        %dma_wait3A_58 = arith.constant 0 : i32
        %dma_wait3A_59 = tpu.memref_slice %arg3[%arg0, %arg1, %scan3A_41, %dma_wait3A, %dma_wait3A_58] : memref<2x16x5x25x80xi32, #tpu.memory_space<hbm>> -> memref<1x1x1x25x80xi32, #tpu.memory_space<hbm>>
        %dma_wait3A_60 = tpu.memref_squeeze %dma_wait3A_59 : memref<1x1x1x25x80xi32, #tpu.memory_space<hbm>> -> memref<25x80xi32, #tpu.memory_space<hbm>>
        %dma_wait3A_61 = arith.constant 0 : i32
        %dma_wait3A_62 = arith.constant 0 : i32
        %dma_wait3A_63 = tpu.memref_slice %arg3[%arg0, %arg1, %scan3A_41, %dma_wait3A_61, %dma_wait3A_62] : memref<2x16x5x25x80xi32, #tpu.memory_space<hbm>> -> memref<1x1x1x25x80xi32, #tpu.memory_space<hbm>>
        %dma_wait3A_64 = tpu.memref_squeeze %dma_wait3A_63 : memref<1x1x1x25x80xi32, #tpu.memory_space<hbm>> -> memref<25x80xi32, #tpu.memory_space<hbm>>
        tpu.wait_dma2 semaphore(%run_scoped3A : memref<!tpu.dma_semaphore, #tpu.memory_space<semaphore_mem>>) src(%dma_wait3A_64 : memref<25x80xi32, #tpu.memory_space<hbm>>) dst(%arg7 : memref<25x80xi32, #tpu.memory_space<vmem>>)
        tpu.yield
      }) : () -> ()
      "tpu.region"() ({
        %run_scoped3A = tpu.sem_alloc : memref<!tpu.dma_semaphore, #tpu.memory_space<semaphore_mem>>
        %dma_start3A = arith.constant 0 : i32
        %dma_start3A_51 = arith.constant 0 : i32
        %dma_start3A_52 = tpu.memref_slice %arg4[%arg1, %scan3A_41, %dma_start3A, %dma_start3A_51] : memref<16x5x25x80xi32, #tpu.memory_space<hbm>> -> memref<1x1x25x80xi32, #tpu.memory_space<hbm>>
        %dma_start3A_53 = tpu.memref_squeeze %dma_start3A_52 : memref<1x1x25x80xi32, #tpu.memory_space<hbm>> -> memref<25x80xi32, #tpu.memory_space<hbm>>
        %dma_start3A_54 = arith.constant 0 : i32
        %dma_start3A_55 = arith.constant 0 : i32
        %dma_start3A_56 = tpu.memref_slice %arg4[%arg1, %scan3A_41, %dma_start3A_54, %dma_start3A_55] : memref<16x5x25x80xi32, #tpu.memory_space<hbm>> -> memref<1x1x25x80xi32, #tpu.memory_space<hbm>>
        %dma_start3A_57 = tpu.memref_squeeze %dma_start3A_56 : memref<1x1x25x80xi32, #tpu.memory_space<hbm>> -> memref<25x80xi32, #tpu.memory_space<hbm>>
        tpu.enqueue_dma source(%dma_start3A_57 : memref<25x80xi32, #tpu.memory_space<hbm>>) target(%arg8 : memref<25x80xi32, #tpu.memory_space<vmem>>) target_semaphore(%run_scoped3A : memref<!tpu.dma_semaphore, #tpu.memory_space<semaphore_mem>>)
        %dma_wait3A = arith.constant 0 : i32
        %dma_wait3A_58 = arith.constant 0 : i32
        %dma_wait3A_59 = tpu.memref_slice %arg4[%arg1, %scan3A_41, %dma_wait3A, %dma_wait3A_58] : memref<16x5x25x80xi32, #tpu.memory_space<hbm>> -> memref<1x1x25x80xi32, #tpu.memory_space<hbm>>
        %dma_wait3A_60 = tpu.memref_squeeze %dma_wait3A_59 : memref<1x1x25x80xi32, #tpu.memory_space<hbm>> -> memref<25x80xi32, #tpu.memory_space<hbm>>
        %dma_wait3A_61 = arith.constant 0 : i32
        %dma_wait3A_62 = arith.constant 0 : i32
        %dma_wait3A_63 = tpu.memref_slice %arg4[%arg1, %scan3A_41, %dma_wait3A_61, %dma_wait3A_62] : memref<16x5x25x80xi32, #tpu.memory_space<hbm>> -> memref<1x1x25x80xi32, #tpu.memory_space<hbm>>
        %dma_wait3A_64 = tpu.memref_squeeze %dma_wait3A_63 : memref<1x1x25x80xi32, #tpu.memory_space<hbm>> -> memref<25x80xi32, #tpu.memory_space<hbm>>
        tpu.wait_dma2 semaphore(%run_scoped3A : memref<!tpu.dma_semaphore, #tpu.memory_space<semaphore_mem>>) src(%dma_wait3A_64 : memref<25x80xi32, #tpu.memory_space<hbm>>) dst(%arg8 : memref<25x80xi32, #tpu.memory_space<vmem>>)
        tpu.yield
      }) : () -> ()
      "tpu.region"() ({
        %run_scoped3A = tpu.sem_alloc : memref<!tpu.dma_semaphore, #tpu.memory_space<semaphore_mem>>
        %dma_start3A = arith.constant 0 : i32
        %dma_start3A_51 = arith.constant 0 : i32
        %dma_start3A_52 = tpu.memref_slice %arg5[%arg1, %scan3A_41, %dma_start3A, %dma_start3A_51] : memref<16x5x25x80xf32, #tpu.memory_space<hbm>> -> memref<1x1x25x80xf32, #tpu.memory_space<hbm>>
        %dma_start3A_53 = tpu.memref_squeeze %dma_start3A_52 : memref<1x1x25x80xf32, #tpu.memory_space<hbm>> -> memref<25x80xf32, #tpu.memory_space<hbm>>
        %dma_start3A_54 = arith.constant 0 : i32
        %dma_start3A_55 = arith.constant 0 : i32
        %dma_start3A_56 = tpu.memref_slice %arg5[%arg1, %scan3A_41, %dma_start3A_54, %dma_start3A_55] : memref<16x5x25x80xf32, #tpu.memory_space<hbm>> -> memref<1x1x25x80xf32, #tpu.memory_space<hbm>>
        %dma_start3A_57 = tpu.memref_squeeze %dma_start3A_56 : memref<1x1x25x80xf32, #tpu.memory_space<hbm>> -> memref<25x80xf32, #tpu.memory_space<hbm>>
        tpu.enqueue_dma source(%dma_start3A_57 : memref<25x80xf32, #tpu.memory_space<hbm>>) target(%arg9 : memref<25x80xf32, #tpu.memory_space<vmem>>) target_semaphore(%run_scoped3A : memref<!tpu.dma_semaphore, #tpu.memory_space<semaphore_mem>>)
        %dma_wait3A = arith.constant 0 : i32
        %dma_wait3A_58 = arith.constant 0 : i32
        %dma_wait3A_59 = tpu.memref_slice %arg5[%arg1, %scan3A_41, %dma_wait3A, %dma_wait3A_58] : memref<16x5x25x80xf32, #tpu.memory_space<hbm>> -> memref<1x1x25x80xf32, #tpu.memory_space<hbm>>
        %dma_wait3A_60 = tpu.memref_squeeze %dma_wait3A_59 : memref<1x1x25x80xf32, #tpu.memory_space<hbm>> -> memref<25x80xf32, #tpu.memory_space<hbm>>
        %dma_wait3A_61 = arith.constant 0 : i32
        %dma_wait3A_62 = arith.constant 0 : i32
        %dma_wait3A_63 = tpu.memref_slice %arg5[%arg1, %scan3A_41, %dma_wait3A_61, %dma_wait3A_62] : memref<16x5x25x80xf32, #tpu.memory_space<hbm>> -> memref<1x1x25x80xf32, #tpu.memory_space<hbm>>
        %dma_wait3A_64 = tpu.memref_squeeze %dma_wait3A_63 : memref<1x1x25x80xf32, #tpu.memory_space<hbm>> -> memref<25x80xf32, #tpu.memory_space<hbm>>
        tpu.wait_dma2 semaphore(%run_scoped3A : memref<!tpu.dma_semaphore, #tpu.memory_space<semaphore_mem>>) src(%dma_wait3A_64 : memref<25x80xf32, #tpu.memory_space<hbm>>) dst(%arg9 : memref<25x80xf32, #tpu.memory_space<vmem>>)
        tpu.yield
      }) : () -> ()
      %scan3A_43 = arith.constant 0 : i32
      %scan3A_44 = arith.constant 0 : i32
      %scan3A_45 = arith.constant 25 : i32
      %scan3A_46 = arith.addi %scan3A_44, %scan3A_45 : i32
      %scan3A_47 = arith.constant 1 : i32
      %scan3A_48 = scf.for %scan3A_51 = %scan3A_44 to %scan3A_46 step %scan3A_47 iter_args(%scan3A_52 = %scan3A_43) -> (i32)  : i32 {
        %dma_start3A = arith.constant 0 : i32
        %dma_start3A_53 = tpu.memref_slice %arg7[%scan3A_51, %dma_start3A] : memref<25x80xi32, #tpu.memory_space<vmem>> -> memref<1x80xi32, #tpu.memory_space<vmem>>
        %dma_start3A_54 = tpu.memref_squeeze %dma_start3A_53 : memref<1x80xi32, #tpu.memory_space<vmem>> -> memref<80xi32, #tpu.memory_space<vmem>>
        %dma_start3A_55 = arith.constant 0 : i32
        %dma_start3A_56 = arith.constant 0 : i32
        %dma_start3A_57 = tpu.memref_slice %arg2[%dma_start3A_55, %dma_start3A_56] : memref<20000x128xf32, #tpu.memory_space<hbm>> -> memref<20000x128xf32, #tpu.memory_space<hbm>>
        tpu.enqueue_indirect_dma source(%dma_start3A_57 : memref<20000x128xf32, #tpu.memory_space<hbm>>) target(%arg10 : memref<80x128xf32, #tpu.memory_space<vmem>>) offsets(%dma_start3A_54 : memref<80xi32, #tpu.memory_space<vmem>>) semaphore(%arg12 : memref<!tpu.dma_semaphore, #tpu.memory_space<semaphore_mem>>)
        %dma_wait3A = arith.constant 0 : i32
        %dma_wait3A_58 = tpu.memref_slice %arg7[%scan3A_51, %dma_wait3A] : memref<25x80xi32, #tpu.memory_space<vmem>> -> memref<1x80xi32, #tpu.memory_space<vmem>>
        %dma_wait3A_59 = tpu.memref_squeeze %dma_wait3A_58 : memref<1x80xi32, #tpu.memory_space<vmem>> -> memref<80xi32, #tpu.memory_space<vmem>>
        %dma_wait3A_60 = arith.constant 0 : i32
        %dma_wait3A_61 = arith.constant 0 : i32
        %dma_wait3A_62 = tpu.memref_slice %arg2[%dma_wait3A_60, %dma_wait3A_61] : memref<20000x128xf32, #tpu.memory_space<hbm>> -> memref<20000x128xf32, #tpu.memory_space<hbm>>
        tpu.wait_indirect_dma semaphore(%arg12 : memref<!tpu.dma_semaphore, #tpu.memory_space<semaphore_mem>>) src(%dma_wait3A_62 : memref<20000x128xf32, #tpu.memory_space<hbm>>) dst(%arg10 : memref<80x128xf32, #tpu.memory_space<vmem>>)
        %scan3A_63 = arith.constant 0 : i32
        %scan3A_64 = arith.constant 0 : i32
        %scan3A_65 = arith.constant 5 : i32
        %scan3A_66 = arith.addi %scan3A_64, %scan3A_65 : i32
        %scan3A_67 = arith.constant 1 : i32
        %scan3A_68 = scf.for %scan3A_71 = %scan3A_64 to %scan3A_66 step %scan3A_67 iter_args(%scan3A_72 = %scan3A_63) -> (i32)  : i32 {
          %mul3A_73 = arith.constant 16 : i32
          %mul3A_74 = arith.muli %scan3A_71, %mul3A_73 : i32
          %get3A = arith.index_cast %scan3A_51 : i32 to index
          %get3A_75 = arith.index_cast %mul3A_74 : i32 to index
          %get3A_76 = tpu.vector_load %arg9[%get3A, %get3A_75] {strides = array<i32>} : memref<25x80xf32, #tpu.memory_space<vmem>>, vector<1x16xf32>,
          %get3A_77 = vector.shape_cast %get3A_76 : vector<1x16xf32> to vector<16xf32>
          %mul3A_78 = arith.constant 16 : i32
          %mul3A_79 = arith.muli %scan3A_71, %mul3A_78 : i32
          %add3A = arith.constant 0 : i32
          %add3A_80 = arith.addi %mul3A_79, %add3A : i32
          %slice3A = vector.extract_strided_slice %get3A_77 {offsets = [0], sizes = [1], strides = [1]} : vector<16xf32> to vector<1xf32>
          %squeeze3A = vector.extract %slice3A[0] : f32 from vector<1xf32>
          %broadcast_in_dim3A_81 = vector.broadcast %squeeze3A : f32 to vector<16xf32>
          %get3A_82 = arith.index_cast %add3A_80 : i32 to index
          %get3A_83 = arith.constant 0 : index
          %get3A_84 = tpu.vector_load %arg10[%get3A_82, %get3A_83] {strides = array<i32>} : memref<80x128xf32, #tpu.memory_space<vmem>>, vector<1x16xf32>,
          %get3A_85 = vector.shape_cast %get3A_84 : vector<1x16xf32> to vector<16xf32>
          %mul3A_86 = arith.mulf %get3A_85, %broadcast_in_dim3A_81 : vector<16xf32>
          %swap3A = arith.index_cast %add3A_80 : i32 to index
          %swap3A_87 = arith.constant 0 : index
          %swap3A_88 = tpu.vector_load %arg10[%swap3A, %swap3A_87] {strides = array<i32>} : memref<80x128xf32, #tpu.memory_space<vmem>>, vector<1x16xf32>,
          %swap3A_89 = vector.shape_cast %swap3A_88 : vector<1x16xf32> to vector<16xf32>
          %swap3A_90 = vector.shape_cast %mul3A_86 : vector<16xf32> to vector<1x16xf32>
          tpu.vector_store %arg10[%swap3A, %swap3A_87], %swap3A_90 {strides = array<i32>} : memref<80x128xf32, #tpu.memory_space<vmem>>, vector<1x16xf32>,
          %get3A_91 = arith.index_cast %add3A_80 : i32 to index
          %get3A_92 = arith.constant 16 : index
          %get3A_93 = tpu.vector_load %arg10[%get3A_91, %get3A_92] {strides = array<i32>} : memref<80x128xf32, #tpu.memory_space<vmem>>, vector<1x16xf32>,
          %get3A_94 = vector.shape_cast %get3A_93 : vector<1x16xf32> to vector<16xf32>
          %mul3A_95 = arith.mulf %get3A_94, %broadcast_in_dim3A_81 : vector<16xf32>
          %swap3A_96 = arith.index_cast %add3A_80 : i32 to index
          %swap3A_97 = arith.constant 16 : index
          %swap3A_98 = tpu.vector_load %arg10[%swap3A_96, %swap3A_97] {strides = array<i32>} : memref<80x128xf32, #tpu.memory_space<vmem>>, vector<1x16xf32>,
          %swap3A_99 = vector.shape_cast %swap3A_98 : vector<1x16xf32> to vector<16xf32>
          %swap3A_100 = vector.shape_cast %mul3A_95 : vector<16xf32> to vector<1x16xf32>
          tpu.vector_store %arg10[%swap3A_96, %swap3A_97], %swap3A_100 {strides = array<i32>} : memref<80x128xf32, #tpu.memory_space<vmem>>, vector<1x16xf32>,
          %get3A_101 = arith.index_cast %add3A_80 : i32 to index
          %get3A_102 = arith.constant 32 : index
          %get3A_103 = tpu.vector_load %arg10[%get3A_101, %get3A_102] {strides = array<i32>} : memref<80x128xf32, #tpu.memory_space<vmem>>, vector<1x16xf32>,
          %get3A_104 = vector.shape_cast %get3A_103 : vector<1x16xf32> to vector<16xf32>
          %mul3A_105 = arith.mulf %get3A_104, %broadcast_in_dim3A_81 : vector<16xf32>
          %swap3A_106 = arith.index_cast %add3A_80 : i32 to index
          %swap3A_107 = arith.constant 32 : index
          %swap3A_108 = tpu.vector_load %arg10[%swap3A_106, %swap3A_107] {strides = array<i32>} : memref<80x128xf32, #tpu.memory_space<vmem>>, vector<1x16xf32>,
          %swap3A_109 = vector.shape_cast %swap3A_108 : vector<1x16xf32> to vector<16xf32>
          %swap3A_110 = vector.shape_cast %mul3A_105 : vector<16xf32> to vector<1x16xf32>
          tpu.vector_store %arg10[%swap3A_106, %swap3A_107], %swap3A_110 {strides = array<i32>} : memref<80x128xf32, #tpu.memory_space<vmem>>, vector<1x16xf32>,
          %get3A_111 = arith.index_cast %add3A_80 : i32 to index
          %get3A_112 = arith.constant 48 : index
          %get3A_113 = tpu.vector_load %arg10[%get3A_111, %get3A_112] {strides = array<i32>} : memref<80x128xf32, #tpu.memory_space<vmem>>, vector<1x16xf32>,
          %get3A_114 = vector.shape_cast %get3A_113 : vector<1x16xf32> to vector<16xf32>
          %mul3A_115 = arith.mulf %get3A_114, %broadcast_in_dim3A_81 : vector<16xf32>
          %swap3A_116 = arith.index_cast %add3A_80 : i32 to index
          %swap3A_117 = arith.constant 48 : index
          %swap3A_118 = tpu.vector_load %arg10[%swap3A_116, %swap3A_117] {strides = array<i32>} : memref<80x128xf32, #tpu.memory_space<vmem>>, vector<1x16xf32>,
          %swap3A_119 = vector.shape_cast %swap3A_118 : vector<1x16xf32> to vector<16xf32>
          %swap3A_120 = vector.shape_cast %mul3A_115 : vector<16xf32> to vector<1x16xf32>
          tpu.vector_store %arg10[%swap3A_116, %swap3A_117], %swap3A_120 {strides = array<i32>} : memref<80x128xf32, #tpu.memory_space<vmem>>, vector<1x16xf32>,
          %get3A_121 = arith.index_cast %add3A_80 : i32 to index
          %get3A_122 = arith.constant 64 : index
          %get3A_123 = tpu.vector_load %arg10[%get3A_121, %get3A_122] {strides = array<i32>} : memref<80x128xf32, #tpu.memory_space<vmem>>, vector<1x16xf32>,
          %get3A_124 = vector.shape_cast %get3A_123 : vector<1x16xf32> to vector<16xf32>
          %mul3A_125 = arith.mulf %get3A_124, %broadcast_in_dim3A_81 : vector<16xf32>
          %swap3A_126 = arith.index_cast %add3A_80 : i32 to index
          %swap3A_127 = arith.constant 64 : index
          %swap3A_128 = tpu.vector_load %arg10[%swap3A_126, %swap3A_127] {strides = array<i32>} : memref<80x128xf32, #tpu.memory_space<vmem>>, vector<1x16xf32>,
          %swap3A_129 = vector.shape_cast %swap3A_128 : vector<1x16xf32> to vector<16xf32>
          %swap3A_130 = vector.shape_cast %mul3A_125 : vector<16xf32> to vector<1x16xf32>
          tpu.vector_store %arg10[%swap3A_126, %swap3A_127], %swap3A_130 {strides = array<i32>} : memref<80x128xf32, #tpu.memory_space<vmem>>, vector<1x16xf32>,
          %get3A_131 = arith.index_cast %add3A_80 : i32 to index
          %get3A_132 = arith.constant 80 : index
          %get3A_133 = tpu.vector_load %arg10[%get3A_131, %get3A_132] {strides = array<i32>} : memref<80x128xf32, #tpu.memory_space<vmem>>, vector<1x16xf32>,
          %get3A_134 = vector.shape_cast %get3A_133 : vector<1x16xf32> to vector<16xf32>
          %mul3A_135 = arith.mulf %get3A_134, %broadcast_in_dim3A_81 : vector<16xf32>
          %swap3A_136 = arith.index_cast %add3A_80 : i32 to index
          %swap3A_137 = arith.constant 80 : index
          %swap3A_138 = tpu.vector_load %arg10[%swap3A_136, %swap3A_137] {strides = array<i32>} : memref<80x128xf32, #tpu.memory_space<vmem>>, vector<1x16xf32>,
          %swap3A_139 = vector.shape_cast %swap3A_138 : vector<1x16xf32> to vector<16xf32>
          %swap3A_140 = vector.shape_cast %mul3A_135 : vector<16xf32> to vector<1x16xf32>
          tpu.vector_store %arg10[%swap3A_136, %swap3A_137], %swap3A_140 {strides = array<i32>} : memref<80x128xf32, #tpu.memory_space<vmem>>, vector<1x16xf32>,
          %get3A_141 = arith.index_cast %add3A_80 : i32 to index
          %get3A_142 = arith.constant 96 : index
          %get3A_143 = tpu.vector_load %arg10[%get3A_141, %get3A_142] {strides = array<i32>} : memref<80x128xf32, #tpu.memory_space<vmem>>, vector<1x16xf32>,
          %get3A_144 = vector.shape_cast %get3A_143 : vector<1x16xf32> to vector<16xf32>
          %mul3A_145 = arith.mulf %get3A_144, %broadcast_in_dim3A_81 : vector<16xf32>
          %swap3A_146 = arith.index_cast %add3A_80 : i32 to index
          %swap3A_147 = arith.constant 96 : index
          %swap3A_148 = tpu.vector_load %arg10[%swap3A_146, %swap3A_147] {strides = array<i32>} : memref<80x128xf32, #tpu.memory_space<vmem>>, vector<1x16xf32>,
          %swap3A_149 = vector.shape_cast %swap3A_148 : vector<1x16xf32> to vector<16xf32>
          %swap3A_150 = vector.shape_cast %mul3A_145 : vector<16xf32> to vector<1x16xf32>
          tpu.vector_store %arg10[%swap3A_146, %swap3A_147], %swap3A_150 {strides = array<i32>} : memref<80x128xf32, #tpu.memory_space<vmem>>, vector<1x16xf32>,
          %get3A_151 = arith.index_cast %add3A_80 : i32 to index
          %get3A_152 = arith.constant 112 : index
          %get3A_153 = tpu.vector_load %arg10[%get3A_151, %get3A_152] {strides = array<i32>} : memref<80x128xf32, #tpu.memory_space<vmem>>, vector<1x16xf32>,
          %get3A_154 = vector.shape_cast %get3A_153 : vector<1x16xf32> to vector<16xf32>
          %mul3A_155 = arith.mulf %get3A_154, %broadcast_in_dim3A_81 : vector<16xf32>
          %swap3A_156 = arith.index_cast %add3A_80 : i32 to index
          %swap3A_157 = arith.constant 112 : index
          %swap3A_158 = tpu.vector_load %arg10[%swap3A_156, %swap3A_157] {strides = array<i32>} : memref<80x128xf32, #tpu.memory_space<vmem>>, vector<1x16xf32>,
          %swap3A_159 = vector.shape_cast %swap3A_158 : vector<1x16xf32> to vector<16xf32>
          %swap3A_160 = vector.shape_cast %mul3A_155 : vector<16xf32> to vector<1x16xf32>
          tpu.vector_store %arg10[%swap3A_156, %swap3A_157], %swap3A_160 {strides = array<i32>} : memref<80x128xf32, #tpu.memory_space<vmem>>, vector<1x16xf32>,
          %mul3A_161 = arith.constant 16 : i32
          %mul3A_162 = arith.muli %scan3A_71, %mul3A_161 : i32
          %add3A_163 = arith.constant 1 : i32
          %add3A_164 = arith.addi %mul3A_162, %add3A_163 : i32
          %slice3A_165 = vector.extract_strided_slice %get3A_77 {offsets = [1], sizes = [1], strides = [1]} : vector<16xf32> to vector<1xf32>
          %squeeze3A_166 = vector.extract %slice3A_165[0] : f32 from vector<1xf32>
          %broadcast_in_dim3A_167 = vector.broadcast %squeeze3A_166 : f32 to vector<16xf32>
          %get3A_168 = arith.index_cast %add3A_164 : i32 to index
          %get3A_169 = arith.constant 0 : index
          %get3A_170 = tpu.vector_load %arg10[%get3A_168, %get3A_169] {strides = array<i32>} : memref<80x128xf32, #tpu.memory_space<vmem>>, vector<1x16xf32>,
          %get3A_171 = vector.shape_cast %get3A_170 : vector<1x16xf32> to vector<16xf32>
          %mul3A_172 = arith.mulf %get3A_171, %broadcast_in_dim3A_167 : vector<16xf32>
          %swap3A_173 = arith.index_cast %add3A_164 : i32 to index
          %swap3A_174 = arith.constant 0 : index
          %swap3A_175 = tpu.vector_load %arg10[%swap3A_173, %swap3A_174] {strides = array<i32>} : memref<80x128xf32, #tpu.memory_space<vmem>>, vector<1x16xf32>,
          %swap3A_176 = vector.shape_cast %swap3A_175 : vector<1x16xf32> to vector<16xf32>
          %swap3A_177 = vector.shape_cast %mul3A_172 : vector<16xf32> to vector<1x16xf32>
          tpu.vector_store %arg10[%swap3A_173, %swap3A_174], %swap3A_177 {strides = array<i32>} : memref<80x128xf32, #tpu.memory_space<vmem>>, vector<1x16xf32>,
          %get3A_178 = arith.index_cast %add3A_164 : i32 to index
          %get3A_179 = arith.constant 16 : index
          %get3A_180 = tpu.vector_load %arg10[%get3A_178, %get3A_179] {strides = array<i32>} : memref<80x128xf32, #tpu.memory_space<vmem>>, vector<1x16xf32>,
          %get3A_181 = vector.shape_cast %get3A_180 : vector<1x16xf32> to vector<16xf32>
          %mul3A_182 = arith.mulf %get3A_181, %broadcast_in_dim3A_167 : vector<16xf32>
          %swap3A_183 = arith.index_cast %add3A_164 : i32 to index
          %swap3A_184 = arith.constant 16 : index
          %swap3A_185 = tpu.vector_load %arg10[%swap3A_183, %swap3A_184] {strides = array<i32>} : memref<80x128xf32, #tpu.memory_space<vmem>>, vector<1x16xf32>,
          %swap3A_186 = vector.shape_cast %swap3A_185 : vector<1x16xf32> to vector<16xf32>
          %swap3A_187 = vector.shape_cast %mul3A_182 : vector<16xf32> to vector<1x16xf32>
          tpu.vector_store %arg10[%swap3A_183, %swap3A_184], %swap3A_187 {strides = array<i32>} : memref<80x128xf32, #tpu.memory_space<vmem>>, vector<1x16xf32>,
          %get3A_188 = arith.index_cast %add3A_164 : i32 to index
          %get3A_189 = arith.constant 32 : index
          %get3A_190 = tpu.vector_load %arg10[%get3A_188, %get3A_189] {strides = array<i32>} : memref<80x128xf32, #tpu.memory_space<vmem>>, vector<1x16xf32>,
          %get3A_191 = vector.shape_cast %get3A_190 : vector<1x16xf32> to vector<16xf32>
          %mul3A_192 = arith.mulf %get3A_191, %broadcast_in_dim3A_167 : vector<16xf32>
          %swap3A_193 = arith.index_cast %add3A_164 : i32 to index
          %swap3A_194 = arith.constant 32 : index
          %swap3A_195 = tpu.vector_load %arg10[%swap3A_193, %swap3A_194] {strides = array<i32>} : memref<80x128xf32, #tpu.memory_space<vmem>>, vector<1x16xf32>,
          %swap3A_196 = vector.shape_cast %swap3A_195 : vector<1x16xf32> to vector<16xf32>
          %swap3A_197 = vector.shape_cast %mul3A_192 : vector<16xf32> to vector<1x16xf32>
          tpu.vector_store %arg10[%swap3A_193, %swap3A_194], %swap3A_197 {strides = array<i32>} : memref<80x128xf32, #tpu.memory_space<vmem>>, vector<1x16xf32>,
          %get3A_198 = arith.index_cast %add3A_164 : i32 to index
          %get3A_199 = arith.constant 48 : index
          %get3A_200 = tpu.vector_load %arg10[%get3A_198, %get3A_199] {strides = array<i32>} : memref<80x128xf32, #tpu.memory_space<vmem>>, vector<1x16xf32>,
          %get3A_201 = vector.shape_cast %get3A_200 : vector<1x16xf32> to vector<16xf32>
          %mul3A_202 = arith.mulf %get3A_201, %broadcast_in_dim3A_167 : vector<16xf32>
          %swap3A_203 = arith.index_cast %add3A_164 : i32 to index
          %swap3A_204 = arith.constant 48 : index
          %swap3A_205 = tpu.vector_load %arg10[%swap3A_203, %swap3A_204] {strides = array<i32>} : memref<80x128xf32, #tpu.memory_space<vmem>>, vector<1x16xf32>,
          %swap3A_206 = vector.shape_cast %swap3A_205 : vector<1x16xf32> to vector<16xf32>
          %swap3A_207 = vector.shape_cast %mul3A_202 : vector<16xf32> to vector<1x16xf32>
          tpu.vector_store %arg10[%swap3A_203, %swap3A_204], %swap3A_207 {strides = array<i32>} : memref<80x128xf32, #tpu.memory_space<vmem>>, vector<1x16xf32>,
          %get3A_208 = arith.index_cast %add3A_164 : i32 to index
          %get3A_209 = arith.constant 64 : index
          %get3A_210 = tpu.vector_load %arg10[%get3A_208, %get3A_209] {strides = array<i32>} : memref<80x128xf32, #tpu.memory_space<vmem>>, vector<1x16xf32>,
          %get3A_211 = vector.shape_cast %get3A_210 : vector<1x16xf32> to vector<16xf32>
          %mul3A_212 = arith.mulf %get3A_211, %broadcast_in_dim3A_167 : vector<16xf32>
          %swap3A_213 = arith.index_cast %add3A_164 : i32 to index
          %swap3A_214 = arith.constant 64 : index
          %swap3A_215 = tpu.vector_load %arg10[%swap3A_213, %swap3A_214] {strides = array<i32>} : memref<80x128xf32, #tpu.memory_space<vmem>>, vector<1x16xf32>,
          %swap3A_216 = vector.shape_cast %swap3A_215 : vector<1x16xf32> to vector<16xf32>
          %swap3A_217 = vector.shape_cast %mul3A_212 : vector<16xf32> to vector<1x16xf32>
          tpu.vector_store %arg10[%swap3A_213, %swap3A_214], %swap3A_217 {strides = array<i32>} : memref<80x128xf32, #tpu.memory_space<vmem>>, vector<1x16xf32>,
          %get3A_218 = arith.index_cast %add3A_164 : i32 to index
          %get3A_219 = arith.constant 80 : index
          %get3A_220 = tpu.vector_load %arg10[%get3A_218, %get3A_219] {strides = array<i32>} : memref<80x128xf32, #tpu.memory_space<vmem>>, vector<1x16xf32>,
          %get3A_221 = vector.shape_cast %get3A_220 : vector<1x16xf32> to vector<16xf32>
          %mul3A_222 = arith.mulf %get3A_221, %broadcast_in_dim3A_167 : vector<16xf32>
          %swap3A_223 = arith.index_cast %add3A_164 : i32 to index
          %swap3A_224 = arith.constant 80 : index
          %swap3A_225 = tpu.vector_load %arg10[%swap3A_223, %swap3A_224] {strides = array<i32>} : memref<80x128xf32, #tpu.memory_space<vmem>>, vector<1x16xf32>,
          %swap3A_226 = vector.shape_cast %swap3A_225 : vector<1x16xf32> to vector<16xf32>
          %swap3A_227 = vector.shape_cast %mul3A_222 : vector<16xf32> to vector<1x16xf32>
          tpu.vector_store %arg10[%swap3A_223, %swap3A_224], %swap3A_227 {strides = array<i32>} : memref<80x128xf32, #tpu.memory_space<vmem>>, vector<1x16xf32>,
          %get3A_228 = arith.index_cast %add3A_164 : i32 to index
          %get3A_229 = arith.constant 96 : index
          %get3A_230 = tpu.vector_load %arg10[%get3A_228, %get3A_229] {strides = array<i32>} : memref<80x128xf32, #tpu.memory_space<vmem>>, vector<1x16xf32>,
          %get3A_231 = vector.shape_cast %get3A_230 : vector<1x16xf32> to vector<16xf32>
          %mul3A_232 = arith.mulf %get3A_231, %broadcast_in_dim3A_167 : vector<16xf32>
          %swap3A_233 = arith.index_cast %add3A_164 : i32 to index
          %swap3A_234 = arith.constant 96 : index
          %swap3A_235 = tpu.vector_load %arg10[%swap3A_233, %swap3A_234] {strides = array<i32>} : memref<80x128xf32, #tpu.memory_space<vmem>>, vector<1x16xf32>,
          %swap3A_236 = vector.shape_cast %swap3A_235 : vector<1x16xf32> to vector<16xf32>
          %swap3A_237 = vector.shape_cast %mul3A_232 : vector<16xf32> to vector<1x16xf32>
          tpu.vector_store %arg10[%swap3A_233, %swap3A_234], %swap3A_237 {strides = array<i32>} : memref<80x128xf32, #tpu.memory_space<vmem>>, vector<1x16xf32>,
          %get3A_238 = arith.index_cast %add3A_164 : i32 to index
          %get3A_239 = arith.constant 112 : index
          %get3A_240 = tpu.vector_load %arg10[%get3A_238, %get3A_239] {strides = array<i32>} : memref<80x128xf32, #tpu.memory_space<vmem>>, vector<1x16xf32>,
          %get3A_241 = vector.shape_cast %get3A_240 : vector<1x16xf32> to vector<16xf32>
          %mul3A_242 = arith.mulf %get3A_241, %broadcast_in_dim3A_167 : vector<16xf32>
          %swap3A_243 = arith.index_cast %add3A_164 : i32 to index
          %swap3A_244 = arith.constant 112 : index
          %swap3A_245 = tpu.vector_load %arg10[%swap3A_243, %swap3A_244] {strides = array<i32>} : memref<80x128xf32, #tpu.memory_space<vmem>>, vector<1x16xf32>,
          %swap3A_246 = vector.shape_cast %swap3A_245 : vector<1x16xf32> to vector<16xf32>
          %swap3A_247 = vector.shape_cast %mul3A_242 : vector<16xf32> to vector<1x16xf32>
          tpu.vector_store %arg10[%swap3A_243, %swap3A_244], %swap3A_247 {strides = array<i32>} : memref<80x128xf32, #tpu.memory_space<vmem>>, vector<1x16xf32>,
          %mul3A_248 = arith.constant 16 : i32
          %mul3A_249 = arith.muli %scan3A_71, %mul3A_248 : i32
          %add3A_250 = arith.constant 2 : i32
          %add3A_251 = arith.addi %mul3A_249, %add3A_250 : i32
          %slice3A_252 = vector.extract_strided_slice %get3A_77 {offsets = [2], sizes = [1], strides = [1]} : vector<16xf32> to vector<1xf32>
          %squeeze3A_253 = vector.extract %slice3A_252[0] : f32 from vector<1xf32>
          %broadcast_in_dim3A_254 = vector.broadcast %squeeze3A_253 : f32 to vector<16xf32>
          %get3A_255 = arith.index_cast %add3A_251 : i32 to index
          %get3A_256 = arith.constant 0 : index
          %get3A_257 = tpu.vector_load %arg10[%get3A_255, %get3A_256] {strides = array<i32>} : memref<80x128xf32, #tpu.memory_space<vmem>>, vector<1x16xf32>,
          %get3A_258 = vector.shape_cast %get3A_257 : vector<1x16xf32> to vector<16xf32>
          %mul3A_259 = arith.mulf %get3A_258, %broadcast_in_dim3A_254 : vector<16xf32>
          %swap3A_260 = arith.index_cast %add3A_251 : i32 to index
          %swap3A_261 = arith.constant 0 : index
          %swap3A_262 = tpu.vector_load %arg10[%swap3A_260, %swap3A_261] {strides = array<i32>} : memref<80x128xf32, #tpu.memory_space<vmem>>, vector<1x16xf32>,
          %swap3A_263 = vector.shape_cast %swap3A_262 : vector<1x16xf32> to vector<16xf32>
          %swap3A_264 = vector.shape_cast %mul3A_259 : vector<16xf32> to vector<1x16xf32>
          tpu.vector_store %arg10[%swap3A_260, %swap3A_261], %swap3A_264 {strides = array<i32>} : memref<80x128xf32, #tpu.memory_space<vmem>>, vector<1x16xf32>,
          %get3A_265 = arith.index_cast %add3A_251 : i32 to index
          %get3A_266 = arith.constant 16 : index
          %get3A_267 = tpu.vector_load %arg10[%get3A_265, %get3A_266] {strides = array<i32>} : memref<80x128xf32, #tpu.memory_space<vmem>>, vector<1x16xf32>,
          %get3A_268 = vector.shape_cast %get3A_267 : vector<1x16xf32> to vector<16xf32>
          %mul3A_269 = arith.mulf %get3A_268, %broadcast_in_dim3A_254 : vector<16xf32>
          %swap3A_270 = arith.index_cast %add3A_251 : i32 to index
          %swap3A_271 = arith.constant 16 : index
          %swap3A_272 = tpu.vector_load %arg10[%swap3A_270, %swap3A_271] {strides = array<i32>} : memref<80x128xf32, #tpu.memory_space<vmem>>, vector<1x16xf32>,
          %swap3A_273 = vector.shape_cast %swap3A_272 : vector<1x16xf32> to vector<16xf32>
          %swap3A_274 = vector.shape_cast %mul3A_269 : vector<16xf32> to vector<1x16xf32>
          tpu.vector_store %arg10[%swap3A_270, %swap3A_271], %swap3A_274 {strides = array<i32>} : memref<80x128xf32, #tpu.memory_space<vmem>>, vector<1x16xf32>,
          %get3A_275 = arith.index_cast %add3A_251 : i32 to index
          %get3A_276 = arith.constant 32 : index
          %get3A_277 = tpu.vector_load %arg10[%get3A_275, %get3A_276] {strides = array<i32>} : memref<80x128xf32, #tpu.memory_space<vmem>>, vector<1x16xf32>,
          %get3A_278 = vector.shape_cast %get3A_277 : vector<1x16xf32> to vector<16xf32>
          %mul3A_279 = arith.mulf %get3A_278, %broadcast_in_dim3A_254 : vector<16xf32>
          %swap3A_280 = arith.index_cast %add3A_251 : i32 to index
          %swap3A_281 = arith.constant 32 : index
          %swap3A_282 = tpu.vector_load %arg10[%swap3A_280, %swap3A_281] {strides = array<i32>} : memref<80x128xf32, #tpu.memory_space<vmem>>, vector<1x16xf32>,
          %swap3A_283 = vector.shape_cast %swap3A_282 : vector<1x16xf32> to vector<16xf32>
          %swap3A_284 = vector.shape_cast %mul3A_279 : vector<16xf32> to vector<1x16xf32>
          tpu.vector_store %arg10[%swap3A_280, %swap3A_281], %swap3A_284 {strides = array<i32>} : memref<80x128xf32, #tpu.memory_space<vmem>>, vector<1x16xf32>,
          %get3A_285 = arith.index_cast %add3A_251 : i32 to index
          %get3A_286 = arith.constant 48 : index
          %get3A_287 = tpu.vector_load %arg10[%get3A_285, %get3A_286] {strides = array<i32>} : memref<80x128xf32, #tpu.memory_space<vmem>>, vector<1x16xf32>,
          %get3A_288 = vector.shape_cast %get3A_287 : vector<1x16xf32> to vector<16xf32>
          %mul3A_289 = arith.mulf %get3A_288, %broadcast_in_dim3A_254 : vector<16xf32>
          %swap3A_290 = arith.index_cast %add3A_251 : i32 to index
          %swap3A_291 = arith.constant 48 : index
          %swap3A_292 = tpu.vector_load %arg10[%swap3A_290, %swap3A_291] {strides = array<i32>} : memref<80x128xf32, #tpu.memory_space<vmem>>, vector<1x16xf32>,
          %swap3A_293 = vector.shape_cast %swap3A_292 : vector<1x16xf32> to vector<16xf32>
          %swap3A_294 = vector.shape_cast %mul3A_289 : vector<16xf32> to vector<1x16xf32>
          tpu.vector_store %arg10[%swap3A_290, %swap3A_291], %swap3A_294 {strides = array<i32>} : memref<80x128xf32, #tpu.memory_space<vmem>>, vector<1x16xf32>,
          %get3A_295 = arith.index_cast %add3A_251 : i32 to index
          %get3A_296 = arith.constant 64 : index
          %get3A_297 = tpu.vector_load %arg10[%get3A_295, %get3A_296] {strides = array<i32>} : memref<80x128xf32, #tpu.memory_space<vmem>>, vector<1x16xf32>,
          %get3A_298 = vector.shape_cast %get3A_297 : vector<1x16xf32> to vector<16xf32>
          %mul3A_299 = arith.mulf %get3A_298, %broadcast_in_dim3A_254 : vector<16xf32>
          %swap3A_300 = arith.index_cast %add3A_251 : i32 to index
          %swap3A_301 = arith.constant 64 : index
          %swap3A_302 = tpu.vector_load %arg10[%swap3A_300, %swap3A_301] {strides = array<i32>} : memref<80x128xf32, #tpu.memory_space<vmem>>, vector<1x16xf32>,
          %swap3A_303 = vector.shape_cast %swap3A_302 : vector<1x16xf32> to vector<16xf32>
          %swap3A_304 = vector.shape_cast %mul3A_299 : vector<16xf32> to vector<1x16xf32>
          tpu.vector_store %arg10[%swap3A_300, %swap3A_301], %swap3A_304 {strides = array<i32>} : memref<80x128xf32, #tpu.memory_space<vmem>>, vector<1x16xf32>,
          %get3A_305 = arith.index_cast %add3A_251 : i32 to index
          %get3A_306 = arith.constant 80 : index
          %get3A_307 = tpu.vector_load %arg10[%get3A_305, %get3A_306] {strides = array<i32>} : memref<80x128xf32, #tpu.memory_space<vmem>>, vector<1x16xf32>,
          %get3A_308 = vector.shape_cast %get3A_307 : vector<1x16xf32> to vector<16xf32>
          %mul3A_309 = arith.mulf %get3A_308, %broadcast_in_dim3A_254 : vector<16xf32>
          %swap3A_310 = arith.index_cast %add3A_251 : i32 to index
          %swap3A_311 = arith.constant 80 : index
          %swap3A_312 = tpu.vector_load %arg10[%swap3A_310, %swap3A_311] {strides = array<i32>} : memref<80x128xf32, #tpu.memory_space<vmem>>, vector<1x16xf32>,
          %swap3A_313 = vector.shape_cast %swap3A_312 : vector<1x16xf32> to vector<16xf32>
          %swap3A_314 = vector.shape_cast %mul3A_309 : vector<16xf32> to vector<1x16xf32>
          tpu.vector_store %arg10[%swap3A_310, %swap3A_311], %swap3A_314 {strides = array<i32>} : memref<80x128xf32, #tpu.memory_space<vmem>>, vector<1x16xf32>,
          %get3A_315 = arith.index_cast %add3A_251 : i32 to index
          %get3A_316 = arith.constant 96 : index
          %get3A_317 = tpu.vector_load %arg10[%get3A_315, %get3A_316] {strides = array<i32>} : memref<80x128xf32, #tpu.memory_space<vmem>>, vector<1x16xf32>,
          %get3A_318 = vector.shape_cast %get3A_317 : vector<1x16xf32> to vector<16xf32>
          %mul3A_319 = arith.mulf %get3A_318, %broadcast_in_dim3A_254 : vector<16xf32>
          %swap3A_320 = arith.index_cast %add3A_251 : i32 to index
          %swap3A_321 = arith.constant 96 : index
          %swap3A_322 = tpu.vector_load %arg10[%swap3A_320, %swap3A_321] {strides = array<i32>} : memref<80x128xf32, #tpu.memory_space<vmem>>, vector<1x16xf32>,
          %swap3A_323 = vector.shape_cast %swap3A_322 : vector<1x16xf32> to vector<16xf32>
          %swap3A_324 = vector.shape_cast %mul3A_319 : vector<16xf32> to vector<1x16xf32>
          tpu.vector_store %arg10[%swap3A_320, %swap3A_321], %swap3A_324 {strides = array<i32>} : memref<80x128xf32, #tpu.memory_space<vmem>>, vector<1x16xf32>,
          %get3A_325 = arith.index_cast %add3A_251 : i32 to index
          %get3A_326 = arith.constant 112 : index
          %get3A_327 = tpu.vector_load %arg10[%get3A_325, %get3A_326] {strides = array<i32>} : memref<80x128xf32, #tpu.memory_space<vmem>>, vector<1x16xf32>,
          %get3A_328 = vector.shape_cast %get3A_327 : vector<1x16xf32> to vector<16xf32>
          %mul3A_329 = arith.mulf %get3A_328, %broadcast_in_dim3A_254 : vector<16xf32>
          %swap3A_330 = arith.index_cast %add3A_251 : i32 to index
          %swap3A_331 = arith.constant 112 : index
          %swap3A_332 = tpu.vector_load %arg10[%swap3A_330, %swap3A_331] {strides = array<i32>} : memref<80x128xf32, #tpu.memory_space<vmem>>, vector<1x16xf32>,
          %swap3A_333 = vector.shape_cast %swap3A_332 : vector<1x16xf32> to vector<16xf32>
          %swap3A_334 = vector.shape_cast %mul3A_329 : vector<16xf32> to vector<1x16xf32>
          tpu.vector_store %arg10[%swap3A_330, %swap3A_331], %swap3A_334 {strides = array<i32>} : memref<80x128xf32, #tpu.memory_space<vmem>>, vector<1x16xf32>,
          %mul3A_335 = arith.constant 16 : i32
          %mul3A_336 = arith.muli %scan3A_71, %mul3A_335 : i32
          %add3A_337 = arith.constant 3 : i32
          %add3A_338 = arith.addi %mul3A_336, %add3A_337 : i32
          %slice3A_339 = vector.extract_strided_slice %get3A_77 {offsets = [3], sizes = [1], strides = [1]} : vector<16xf32> to vector<1xf32>
          %squeeze3A_340 = vector.extract %slice3A_339[0] : f32 from vector<1xf32>
          %broadcast_in_dim3A_341 = vector.broadcast %squeeze3A_340 : f32 to vector<16xf32>
          %get3A_342 = arith.index_cast %add3A_338 : i32 to index
          %get3A_343 = arith.constant 0 : index
          %get3A_344 = tpu.vector_load %arg10[%get3A_342, %get3A_343] {strides = array<i32>} : memref<80x128xf32, #tpu.memory_space<vmem>>, vector<1x16xf32>,
          %get3A_345 = vector.shape_cast %get3A_344 : vector<1x16xf32> to vector<16xf32>
          %mul3A_346 = arith.mulf %get3A_345, %broadcast_in_dim3A_341 : vector<16xf32>
          %swap3A_347 = arith.index_cast %add3A_338 : i32 to index
          %swap3A_348 = arith.constant 0 : index
          %swap3A_349 = tpu.vector_load %arg10[%swap3A_347, %swap3A_348] {strides = array<i32>} : memref<80x128xf32, #tpu.memory_space<vmem>>, vector<1x16xf32>,
          %swap3A_350 = vector.shape_cast %swap3A_349 : vector<1x16xf32> to vector<16xf32>
          %swap3A_351 = vector.shape_cast %mul3A_346 : vector<16xf32> to vector<1x16xf32>
          tpu.vector_store %arg10[%swap3A_347, %swap3A_348], %swap3A_351 {strides = array<i32>} : memref<80x128xf32, #tpu.memory_space<vmem>>, vector<1x16xf32>,
          %get3A_352 = arith.index_cast %add3A_338 : i32 to index
          %get3A_353 = arith.constant 16 : index
          %get3A_354 = tpu.vector_load %arg10[%get3A_352, %get3A_353] {strides = array<i32>} : memref<80x128xf32, #tpu.memory_space<vmem>>, vector<1x16xf32>,
          %get3A_355 = vector.shape_cast %get3A_354 : vector<1x16xf32> to vector<16xf32>
          %mul3A_356 = arith.mulf %get3A_355, %broadcast_in_dim3A_341 : vector<16xf32>
          %swap3A_357 = arith.index_cast %add3A_338 : i32 to index
          %swap3A_358 = arith.constant 16 : index
          %swap3A_359 = tpu.vector_load %arg10[%swap3A_357, %swap3A_358] {strides = array<i32>} : memref<80x128xf32, #tpu.memory_space<vmem>>, vector<1x16xf32>,
          %swap3A_360 = vector.shape_cast %swap3A_359 : vector<1x16xf32> to vector<16xf32>
          %swap3A_361 = vector.shape_cast %mul3A_356 : vector<16xf32> to vector<1x16xf32>
          tpu.vector_store %arg10[%swap3A_357, %swap3A_358], %swap3A_361 {strides = array<i32>} : memref<80x128xf32, #tpu.memory_space<vmem>>, vector<1x16xf32>,
          %get3A_362 = arith.index_cast %add3A_338 : i32 to index
          %get3A_363 = arith.constant 32 : index
          %get3A_364 = tpu.vector_load %arg10[%get3A_362, %get3A_363] {strides = array<i32>} : memref<80x128xf32, #tpu.memory_space<vmem>>, vector<1x16xf32>,
          %get3A_365 = vector.shape_cast %get3A_364 : vector<1x16xf32> to vector<16xf32>
          %mul3A_366 = arith.mulf %get3A_365, %broadcast_in_dim3A_341 : vector<16xf32>
          %swap3A_367 = arith.index_cast %add3A_338 : i32 to index
          %swap3A_368 = arith.constant 32 : index
          %swap3A_369 = tpu.vector_load %arg10[%swap3A_367, %swap3A_368] {strides = array<i32>} : memref<80x128xf32, #tpu.memory_space<vmem>>, vector<1x16xf32>,
          %swap3A_370 = vector.shape_cast %swap3A_369 : vector<1x16xf32> to vector<16xf32>
          %swap3A_371 = vector.shape_cast %mul3A_366 : vector<16xf32> to vector<1x16xf32>
          tpu.vector_store %arg10[%swap3A_367, %swap3A_368], %swap3A_371 {strides = array<i32>} : memref<80x128xf32, #tpu.memory_space<vmem>>, vector<1x16xf32>,
          %get3A_372 = arith.index_cast %add3A_338 : i32 to index
          %get3A_373 = arith.constant 48 : index
          %get3A_374 = tpu.vector_load %arg10[%get3A_372, %get3A_373] {strides = array<i32>} : memref<80x128xf32, #tpu.memory_space<vmem>>, vector<1x16xf32>,
          %get3A_375 = vector.shape_cast %get3A_374 : vector<1x16xf32> to vector<16xf32>
          %mul3A_376 = arith.mulf %get3A_375, %broadcast_in_dim3A_341 : vector<16xf32>
          %swap3A_377 = arith.index_cast %add3A_338 : i32 to index
          %swap3A_378 = arith.constant 48 : index
          %swap3A_379 = tpu.vector_load %arg10[%swap3A_377, %swap3A_378] {strides = array<i32>} : memref<80x128xf32, #tpu.memory_space<vmem>>, vector<1x16xf32>,
          %swap3A_380 = vector.shape_cast %swap3A_379 : vector<1x16xf32> to vector<16xf32>
          %swap3A_381 = vector.shape_cast %mul3A_376 : vector<16xf32> to vector<1x16xf32>
          tpu.vector_store %arg10[%swap3A_377, %swap3A_378], %swap3A_381 {strides = array<i32>} : memref<80x128xf32, #tpu.memory_space<vmem>>, vector<1x16xf32>,
          %get3A_382 = arith.index_cast %add3A_338 : i32 to index
          %get3A_383 = arith.constant 64 : index
          %get3A_384 = tpu.vector_load %arg10[%get3A_382, %get3A_383] {strides = array<i32>} : memref<80x128xf32, #tpu.memory_space<vmem>>, vector<1x16xf32>,
          %get3A_385 = vector.shape_cast %get3A_384 : vector<1x16xf32> to vector<16xf32>
          %mul3A_386 = arith.mulf %get3A_385, %broadcast_in_dim3A_341 : vector<16xf32>
          %swap3A_387 = arith.index_cast %add3A_338 : i32 to index
          %swap3A_388 = arith.constant 64 : index
          %swap3A_389 = tpu.vector_load %arg10[%swap3A_387, %swap3A_388] {strides = array<i32>} : memref<80x128xf32, #tpu.memory_space<vmem>>, vector<1x16xf32>,
          %swap3A_390 = vector.shape_cast %swap3A_389 : vector<1x16xf32> to vector<16xf32>
          %swap3A_391 = vector.shape_cast %mul3A_386 : vector<16xf32> to vector<1x16xf32>
          tpu.vector_store %arg10[%swap3A_387, %swap3A_388], %swap3A_391 {strides = array<i32>} : memref<80x128xf32, #tpu.memory_space<vmem>>, vector<1x16xf32>,
          %get3A_392 = arith.index_cast %add3A_338 : i32 to index
          %get3A_393 = arith.constant 80 : index
          %get3A_394 = tpu.vector_load %arg10[%get3A_392, %get3A_393] {strides = array<i32>} : memref<80x128xf32, #tpu.memory_space<vmem>>, vector<1x16xf32>,
          %get3A_395 = vector.shape_cast %get3A_394 : vector<1x16xf32> to vector<16xf32>
          %mul3A_396 = arith.mulf %get3A_395, %broadcast_in_dim3A_341 : vector<16xf32>
          %swap3A_397 = arith.index_cast %add3A_338 : i32 to index
          %swap3A_398 = arith.constant 80 : index
          %swap3A_399 = tpu.vector_load %arg10[%swap3A_397, %swap3A_398] {strides = array<i32>} : memref<80x128xf32, #tpu.memory_space<vmem>>, vector<1x16xf32>,
          %swap3A_400 = vector.shape_cast %swap3A_399 : vector<1x16xf32> to vector<16xf32>
          %swap3A_401 = vector.shape_cast %mul3A_396 : vector<16xf32> to vector<1x16xf32>
          tpu.vector_store %arg10[%swap3A_397, %swap3A_398], %swap3A_401 {strides = array<i32>} : memref<80x128xf32, #tpu.memory_space<vmem>>, vector<1x16xf32>,
          %get3A_402 = arith.index_cast %add3A_338 : i32 to index
          %get3A_403 = arith.constant 96 : index
          %get3A_404 = tpu.vector_load %arg10[%get3A_402, %get3A_403] {strides = array<i32>} : memref<80x128xf32, #tpu.memory_space<vmem>>, vector<1x16xf32>,
          %get3A_405 = vector.shape_cast %get3A_404 : vector<1x16xf32> to vector<16xf32>
          %mul3A_406 = arith.mulf %get3A_405, %broadcast_in_dim3A_341 : vector<16xf32>
          %swap3A_407 = arith.index_cast %add3A_338 : i32 to index
          %swap3A_408 = arith.constant 96 : index
          %swap3A_409 = tpu.vector_load %arg10[%swap3A_407, %swap3A_408] {strides = array<i32>} : memref<80x128xf32, #tpu.memory_space<vmem>>, vector<1x16xf32>,
          %swap3A_410 = vector.shape_cast %swap3A_409 : vector<1x16xf32> to vector<16xf32>
          %swap3A_411 = vector.shape_cast %mul3A_406 : vector<16xf32> to vector<1x16xf32>
          tpu.vector_store %arg10[%swap3A_407, %swap3A_408], %swap3A_411 {strides = array<i32>} : memref<80x128xf32, #tpu.memory_space<vmem>>, vector<1x16xf32>,
          %get3A_412 = arith.index_cast %add3A_338 : i32 to index
          %get3A_413 = arith.constant 112 : index
          %get3A_414 = tpu.vector_load %arg10[%get3A_412, %get3A_413] {strides = array<i32>} : memref<80x128xf32, #tpu.memory_space<vmem>>, vector<1x16xf32>,
          %get3A_415 = vector.shape_cast %get3A_414 : vector<1x16xf32> to vector<16xf32>
          %mul3A_416 = arith.mulf %get3A_415, %broadcast_in_dim3A_341 : vector<16xf32>
          %swap3A_417 = arith.index_cast %add3A_338 : i32 to index
          %swap3A_418 = arith.constant 112 : index
          %swap3A_419 = tpu.vector_load %arg10[%swap3A_417, %swap3A_418] {strides = array<i32>} : memref<80x128xf32, #tpu.memory_space<vmem>>, vector<1x16xf32>,
          %swap3A_420 = vector.shape_cast %swap3A_419 : vector<1x16xf32> to vector<16xf32>
          %swap3A_421 = vector.shape_cast %mul3A_416 : vector<16xf32> to vector<1x16xf32>
          tpu.vector_store %arg10[%swap3A_417, %swap3A_418], %swap3A_421 {strides = array<i32>} : memref<80x128xf32, #tpu.memory_space<vmem>>, vector<1x16xf32>,
          %mul3A_422 = arith.constant 16 : i32
          %mul3A_423 = arith.muli %scan3A_71, %mul3A_422 : i32
          %add3A_424 = arith.constant 4 : i32
          %add3A_425 = arith.addi %mul3A_423, %add3A_424 : i32
          %slice3A_426 = vector.extract_strided_slice %get3A_77 {offsets = [4], sizes = [1], strides = [1]} : vector<16xf32> to vector<1xf32>
          %squeeze3A_427 = vector.extract %slice3A_426[0] : f32 from vector<1xf32>
          %broadcast_in_dim3A_428 = vector.broadcast %squeeze3A_427 : f32 to vector<16xf32>
          %get3A_429 = arith.index_cast %add3A_425 : i32 to index
          %get3A_430 = arith.constant 0 : index
          %get3A_431 = tpu.vector_load %arg10[%get3A_429, %get3A_430] {strides = array<i32>} : memref<80x128xf32, #tpu.memory_space<vmem>>, vector<1x16xf32>,
          %get3A_432 = vector.shape_cast %get3A_431 : vector<1x16xf32> to vector<16xf32>
          %mul3A_433 = arith.mulf %get3A_432, %broadcast_in_dim3A_428 : vector<16xf32>
          %swap3A_434 = arith.index_cast %add3A_425 : i32 to index
          %swap3A_435 = arith.constant 0 : index
          %swap3A_436 = tpu.vector_load %arg10[%swap3A_434, %swap3A_435] {strides = array<i32>} : memref<80x128xf32, #tpu.memory_space<vmem>>, vector<1x16xf32>,
          %swap3A_437 = vector.shape_cast %swap3A_436 : vector<1x16xf32> to vector<16xf32>
          %swap3A_438 = vector.shape_cast %mul3A_433 : vector<16xf32> to vector<1x16xf32>
          tpu.vector_store %arg10[%swap3A_434, %swap3A_435], %swap3A_438 {strides = array<i32>} : memref<80x128xf32, #tpu.memory_space<vmem>>, vector<1x16xf32>,
          %get3A_439 = arith.index_cast %add3A_425 : i32 to index
          %get3A_440 = arith.constant 16 : index
          %get3A_441 = tpu.vector_load %arg10[%get3A_439, %get3A_440] {strides = array<i32>} : memref<80x128xf32, #tpu.memory_space<vmem>>, vector<1x16xf32>,
          %get3A_442 = vector.shape_cast %get3A_441 : vector<1x16xf32> to vector<16xf32>
          %mul3A_443 = arith.mulf %get3A_442, %broadcast_in_dim3A_428 : vector<16xf32>
          %swap3A_444 = arith.index_cast %add3A_425 : i32 to index
          %swap3A_445 = arith.constant 16 : index
          %swap3A_446 = tpu.vector_load %arg10[%swap3A_444, %swap3A_445] {strides = array<i32>} : memref<80x128xf32, #tpu.memory_space<vmem>>, vector<1x16xf32>,
          %swap3A_447 = vector.shape_cast %swap3A_446 : vector<1x16xf32> to vector<16xf32>
          %swap3A_448 = vector.shape_cast %mul3A_443 : vector<16xf32> to vector<1x16xf32>
          tpu.vector_store %arg10[%swap3A_444, %swap3A_445], %swap3A_448 {strides = array<i32>} : memref<80x128xf32, #tpu.memory_space<vmem>>, vector<1x16xf32>,
          %get3A_449 = arith.index_cast %add3A_425 : i32 to index
          %get3A_450 = arith.constant 32 : index
          %get3A_451 = tpu.vector_load %arg10[%get3A_449, %get3A_450] {strides = array<i32>} : memref<80x128xf32, #tpu.memory_space<vmem>>, vector<1x16xf32>,
          %get3A_452 = vector.shape_cast %get3A_451 : vector<1x16xf32> to vector<16xf32>
          %mul3A_453 = arith.mulf %get3A_452, %broadcast_in_dim3A_428 : vector<16xf32>
          %swap3A_454 = arith.index_cast %add3A_425 : i32 to index
          %swap3A_455 = arith.constant 32 : index
          %swap3A_456 = tpu.vector_load %arg10[%swap3A_454, %swap3A_455] {strides = array<i32>} : memref<80x128xf32, #tpu.memory_space<vmem>>, vector<1x16xf32>,
          %swap3A_457 = vector.shape_cast %swap3A_456 : vector<1x16xf32> to vector<16xf32>
          %swap3A_458 = vector.shape_cast %mul3A_453 : vector<16xf32> to vector<1x16xf32>
          tpu.vector_store %arg10[%swap3A_454, %swap3A_455], %swap3A_458 {strides = array<i32>} : memref<80x128xf32, #tpu.memory_space<vmem>>, vector<1x16xf32>,
          %get3A_459 = arith.index_cast %add3A_425 : i32 to index
          %get3A_460 = arith.constant 48 : index
          %get3A_461 = tpu.vector_load %arg10[%get3A_459, %get3A_460] {strides = array<i32>} : memref<80x128xf32, #tpu.memory_space<vmem>>, vector<1x16xf32>,
          %get3A_462 = vector.shape_cast %get3A_461 : vector<1x16xf32> to vector<16xf32>
          %mul3A_463 = arith.mulf %get3A_462, %broadcast_in_dim3A_428 : vector<16xf32>
          %swap3A_464 = arith.index_cast %add3A_425 : i32 to index
          %swap3A_465 = arith.constant 48 : index
          %swap3A_466 = tpu.vector_load %arg10[%swap3A_464, %swap3A_465] {strides = array<i32>} : memref<80x128xf32, #tpu.memory_space<vmem>>, vector<1x16xf32>,
          %swap3A_467 = vector.shape_cast %swap3A_466 : vector<1x16xf32> to vector<16xf32>
          %swap3A_468 = vector.shape_cast %mul3A_463 : vector<16xf32> to vector<1x16xf32>
          tpu.vector_store %arg10[%swap3A_464, %swap3A_465], %swap3A_468 {strides = array<i32>} : memref<80x128xf32, #tpu.memory_space<vmem>>, vector<1x16xf32>,
          %get3A_469 = arith.index_cast %add3A_425 : i32 to index
          %get3A_470 = arith.constant 64 : index
          %get3A_471 = tpu.vector_load %arg10[%get3A_469, %get3A_470] {strides = array<i32>} : memref<80x128xf32, #tpu.memory_space<vmem>>, vector<1x16xf32>,
          %get3A_472 = vector.shape_cast %get3A_471 : vector<1x16xf32> to vector<16xf32>
          %mul3A_473 = arith.mulf %get3A_472, %broadcast_in_dim3A_428 : vector<16xf32>
          %swap3A_474 = arith.index_cast %add3A_425 : i32 to index
          %swap3A_475 = arith.constant 64 : index
          %swap3A_476 = tpu.vector_load %arg10[%swap3A_474, %swap3A_475] {strides = array<i32>} : memref<80x128xf32, #tpu.memory_space<vmem>>, vector<1x16xf32>,
          %swap3A_477 = vector.shape_cast %swap3A_476 : vector<1x16xf32> to vector<16xf32>
          %swap3A_478 = vector.shape_cast %mul3A_473 : vector<16xf32> to vector<1x16xf32>
          tpu.vector_store %arg10[%swap3A_474, %swap3A_475], %swap3A_478 {strides = array<i32>} : memref<80x128xf32, #tpu.memory_space<vmem>>, vector<1x16xf32>,
          %get3A_479 = arith.index_cast %add3A_425 : i32 to index
          %get3A_480 = arith.constant 80 : index
          %get3A_481 = tpu.vector_load %arg10[%get3A_479, %get3A_480] {strides = array<i32>} : memref<80x128xf32, #tpu.memory_space<vmem>>, vector<1x16xf32>,
          %get3A_482 = vector.shape_cast %get3A_481 : vector<1x16xf32> to vector<16xf32>
          %mul3A_483 = arith.mulf %get3A_482, %broadcast_in_dim3A_428 : vector<16xf32>
          %swap3A_484 = arith.index_cast %add3A_425 : i32 to index
          %swap3A_485 = arith.constant 80 : index
          %swap3A_486 = tpu.vector_load %arg10[%swap3A_484, %swap3A_485] {strides = array<i32>} : memref<80x128xf32, #tpu.memory_space<vmem>>, vector<1x16xf32>,
          %swap3A_487 = vector.shape_cast %swap3A_486 : vector<1x16xf32> to vector<16xf32>
          %swap3A_488 = vector.shape_cast %mul3A_483 : vector<16xf32> to vector<1x16xf32>
          tpu.vector_store %arg10[%swap3A_484, %swap3A_485], %swap3A_488 {strides = array<i32>} : memref<80x128xf32, #tpu.memory_space<vmem>>, vector<1x16xf32>,
          %get3A_489 = arith.index_cast %add3A_425 : i32 to index
          %get3A_490 = arith.constant 96 : index
          %get3A_491 = tpu.vector_load %arg10[%get3A_489, %get3A_490] {strides = array<i32>} : memref<80x128xf32, #tpu.memory_space<vmem>>, vector<1x16xf32>,
          %get3A_492 = vector.shape_cast %get3A_491 : vector<1x16xf32> to vector<16xf32>
          %mul3A_493 = arith.mulf %get3A_492, %broadcast_in_dim3A_428 : vector<16xf32>
          %swap3A_494 = arith.index_cast %add3A_425 : i32 to index
          %swap3A_495 = arith.constant 96 : index
          %swap3A_496 = tpu.vector_load %arg10[%swap3A_494, %swap3A_495] {strides = array<i32>} : memref<80x128xf32, #tpu.memory_space<vmem>>, vector<1x16xf32>,
          %swap3A_497 = vector.shape_cast %swap3A_496 : vector<1x16xf32> to vector<16xf32>
          %swap3A_498 = vector.shape_cast %mul3A_493 : vector<16xf32> to vector<1x16xf32>
          tpu.vector_store %arg10[%swap3A_494, %swap3A_495], %swap3A_498 {strides = array<i32>} : memref<80x128xf32, #tpu.memory_space<vmem>>, vector<1x16xf32>,
          %get3A_499 = arith.index_cast %add3A_425 : i32 to index
          %get3A_500 = arith.constant 112 : index
          %get3A_501 = tpu.vector_load %arg10[%get3A_499, %get3A_500] {strides = array<i32>} : memref<80x128xf32, #tpu.memory_space<vmem>>, vector<1x16xf32>,
          %get3A_502 = vector.shape_cast %get3A_501 : vector<1x16xf32> to vector<16xf32>
          %mul3A_503 = arith.mulf %get3A_502, %broadcast_in_dim3A_428 : vector<16xf32>
          %swap3A_504 = arith.index_cast %add3A_425 : i32 to index
          %swap3A_505 = arith.constant 112 : index
          %swap3A_506 = tpu.vector_load %arg10[%swap3A_504, %swap3A_505] {strides = array<i32>} : memref<80x128xf32, #tpu.memory_space<vmem>>, vector<1x16xf32>,
          %swap3A_507 = vector.shape_cast %swap3A_506 : vector<1x16xf32> to vector<16xf32>
          %swap3A_508 = vector.shape_cast %mul3A_503 : vector<16xf32> to vector<1x16xf32>
          tpu.vector_store %arg10[%swap3A_504, %swap3A_505], %swap3A_508 {strides = array<i32>} : memref<80x128xf32, #tpu.memory_space<vmem>>, vector<1x16xf32>,
          %mul3A_509 = arith.constant 16 : i32
          %mul3A_510 = arith.muli %scan3A_71, %mul3A_509 : i32
          %add3A_511 = arith.constant 5 : i32
          %add3A_512 = arith.addi %mul3A_510, %add3A_511 : i32
          %slice3A_513 = vector.extract_strided_slice %get3A_77 {offsets = [5], sizes = [1], strides = [1]} : vector<16xf32> to vector<1xf32>
          %squeeze3A_514 = vector.extract %slice3A_513[0] : f32 from vector<1xf32>
          %broadcast_in_dim3A_515 = vector.broadcast %squeeze3A_514 : f32 to vector<16xf32>
          %get3A_516 = arith.index_cast %add3A_512 : i32 to index
          %get3A_517 = arith.constant 0 : index
          %get3A_518 = tpu.vector_load %arg10[%get3A_516, %get3A_517] {strides = array<i32>} : memref<80x128xf32, #tpu.memory_space<vmem>>, vector<1x16xf32>,
          %get3A_519 = vector.shape_cast %get3A_518 : vector<1x16xf32> to vector<16xf32>
          %mul3A_520 = arith.mulf %get3A_519, %broadcast_in_dim3A_515 : vector<16xf32>
          %swap3A_521 = arith.index_cast %add3A_512 : i32 to index
          %swap3A_522 = arith.constant 0 : index
          %swap3A_523 = tpu.vector_load %arg10[%swap3A_521, %swap3A_522] {strides = array<i32>} : memref<80x128xf32, #tpu.memory_space<vmem>>, vector<1x16xf32>,
          %swap3A_524 = vector.shape_cast %swap3A_523 : vector<1x16xf32> to vector<16xf32>
          %swap3A_525 = vector.shape_cast %mul3A_520 : vector<16xf32> to vector<1x16xf32>
          tpu.vector_store %arg10[%swap3A_521, %swap3A_522], %swap3A_525 {strides = array<i32>} : memref<80x128xf32, #tpu.memory_space<vmem>>, vector<1x16xf32>,
          %get3A_526 = arith.index_cast %add3A_512 : i32 to index
          %get3A_527 = arith.constant 16 : index
          %get3A_528 = tpu.vector_load %arg10[%get3A_526, %get3A_527] {strides = array<i32>} : memref<80x128xf32, #tpu.memory_space<vmem>>, vector<1x16xf32>,
          %get3A_529 = vector.shape_cast %get3A_528 : vector<1x16xf32> to vector<16xf32>
          %mul3A_530 = arith.mulf %get3A_529, %broadcast_in_dim3A_515 : vector<16xf32>
          %swap3A_531 = arith.index_cast %add3A_512 : i32 to index
          %swap3A_532 = arith.constant 16 : index
          %swap3A_533 = tpu.vector_load %arg10[%swap3A_531, %swap3A_532] {strides = array<i32>} : memref<80x128xf32, #tpu.memory_space<vmem>>, vector<1x16xf32>,
          %swap3A_534 = vector.shape_cast %swap3A_533 : vector<1x16xf32> to vector<16xf32>
          %swap3A_535 = vector.shape_cast %mul3A_530 : vector<16xf32> to vector<1x16xf32>
          tpu.vector_store %arg10[%swap3A_531, %swap3A_532], %swap3A_535 {strides = array<i32>} : memref<80x128xf32, #tpu.memory_space<vmem>>, vector<1x16xf32>,
          %get3A_536 = arith.index_cast %add3A_512 : i32 to index
          %get3A_537 = arith.constant 32 : index
          %get3A_538 = tpu.vector_load %arg10[%get3A_536, %get3A_537] {strides = array<i32>} : memref<80x128xf32, #tpu.memory_space<vmem>>, vector<1x16xf32>,
          %get3A_539 = vector.shape_cast %get3A_538 : vector<1x16xf32> to vector<16xf32>
          %mul3A_540 = arith.mulf %get3A_539, %broadcast_in_dim3A_515 : vector<16xf32>
          %swap3A_541 = arith.index_cast %add3A_512 : i32 to index
          %swap3A_542 = arith.constant 32 : index
          %swap3A_543 = tpu.vector_load %arg10[%swap3A_541, %swap3A_542] {strides = array<i32>} : memref<80x128xf32, #tpu.memory_space<vmem>>, vector<1x16xf32>,
          %swap3A_544 = vector.shape_cast %swap3A_543 : vector<1x16xf32> to vector<16xf32>
          %swap3A_545 = vector.shape_cast %mul3A_540 : vector<16xf32> to vector<1x16xf32>
          tpu.vector_store %arg10[%swap3A_541, %swap3A_542], %swap3A_545 {strides = array<i32>} : memref<80x128xf32, #tpu.memory_space<vmem>>, vector<1x16xf32>,
          %get3A_546 = arith.index_cast %add3A_512 : i32 to index
          %get3A_547 = arith.constant 48 : index
          %get3A_548 = tpu.vector_load %arg10[%get3A_546, %get3A_547] {strides = array<i32>} : memref<80x128xf32, #tpu.memory_space<vmem>>, vector<1x16xf32>,
          %get3A_549 = vector.shape_cast %get3A_548 : vector<1x16xf32> to vector<16xf32>
          %mul3A_550 = arith.mulf %get3A_549, %broadcast_in_dim3A_515 : vector<16xf32>
          %swap3A_551 = arith.index_cast %add3A_512 : i32 to index
          %swap3A_552 = arith.constant 48 : index
          %swap3A_553 = tpu.vector_load %arg10[%swap3A_551, %swap3A_552] {strides = array<i32>} : memref<80x128xf32, #tpu.memory_space<vmem>>, vector<1x16xf32>,
          %swap3A_554 = vector.shape_cast %swap3A_553 : vector<1x16xf32> to vector<16xf32>
          %swap3A_555 = vector.shape_cast %mul3A_550 : vector<16xf32> to vector<1x16xf32>
          tpu.vector_store %arg10[%swap3A_551, %swap3A_552], %swap3A_555 {strides = array<i32>} : memref<80x128xf32, #tpu.memory_space<vmem>>, vector<1x16xf32>,
          %get3A_556 = arith.index_cast %add3A_512 : i32 to index
          %get3A_557 = arith.constant 64 : index
          %get3A_558 = tpu.vector_load %arg10[%get3A_556, %get3A_557] {strides = array<i32>} : memref<80x128xf32, #tpu.memory_space<vmem>>, vector<1x16xf32>,
          %get3A_559 = vector.shape_cast %get3A_558 : vector<1x16xf32> to vector<16xf32>
          %mul3A_560 = arith.mulf %get3A_559, %broadcast_in_dim3A_515 : vector<16xf32>
          %swap3A_561 = arith.index_cast %add3A_512 : i32 to index
          %swap3A_562 = arith.constant 64 : index
          %swap3A_563 = tpu.vector_load %arg10[%swap3A_561, %swap3A_562] {strides = array<i32>} : memref<80x128xf32, #tpu.memory_space<vmem>>, vector<1x16xf32>,
          %swap3A_564 = vector.shape_cast %swap3A_563 : vector<1x16xf32> to vector<16xf32>
          %swap3A_565 = vector.shape_cast %mul3A_560 : vector<16xf32> to vector<1x16xf32>
          tpu.vector_store %arg10[%swap3A_561, %swap3A_562], %swap3A_565 {strides = array<i32>} : memref<80x128xf32, #tpu.memory_space<vmem>>, vector<1x16xf32>,
          %get3A_566 = arith.index_cast %add3A_512 : i32 to index
          %get3A_567 = arith.constant 80 : index
          %get3A_568 = tpu.vector_load %arg10[%get3A_566, %get3A_567] {strides = array<i32>} : memref<80x128xf32, #tpu.memory_space<vmem>>, vector<1x16xf32>,
          %get3A_569 = vector.shape_cast %get3A_568 : vector<1x16xf32> to vector<16xf32>
          %mul3A_570 = arith.mulf %get3A_569, %broadcast_in_dim3A_515 : vector<16xf32>
          %swap3A_571 = arith.index_cast %add3A_512 : i32 to index
          %swap3A_572 = arith.constant 80 : index
          %swap3A_573 = tpu.vector_load %arg10[%swap3A_571, %swap3A_572] {strides = array<i32>} : memref<80x128xf32, #tpu.memory_space<vmem>>, vector<1x16xf32>,
          %swap3A_574 = vector.shape_cast %swap3A_573 : vector<1x16xf32> to vector<16xf32>
          %swap3A_575 = vector.shape_cast %mul3A_570 : vector<16xf32> to vector<1x16xf32>
          tpu.vector_store %arg10[%swap3A_571, %swap3A_572], %swap3A_575 {strides = array<i32>} : memref<80x128xf32, #tpu.memory_space<vmem>>, vector<1x16xf32>,
          %get3A_576 = arith.index_cast %add3A_512 : i32 to index
          %get3A_577 = arith.constant 96 : index
          %get3A_578 = tpu.vector_load %arg10[%get3A_576, %get3A_577] {strides = array<i32>} : memref<80x128xf32, #tpu.memory_space<vmem>>, vector<1x16xf32>,
          %get3A_579 = vector.shape_cast %get3A_578 : vector<1x16xf32> to vector<16xf32>
          %mul3A_580 = arith.mulf %get3A_579, %broadcast_in_dim3A_515 : vector<16xf32>
          %swap3A_581 = arith.index_cast %add3A_512 : i32 to index
          %swap3A_582 = arith.constant 96 : index
          %swap3A_583 = tpu.vector_load %arg10[%swap3A_581, %swap3A_582] {strides = array<i32>} : memref<80x128xf32, #tpu.memory_space<vmem>>, vector<1x16xf32>,
          %swap3A_584 = vector.shape_cast %swap3A_583 : vector<1x16xf32> to vector<16xf32>
          %swap3A_585 = vector.shape_cast %mul3A_580 : vector<16xf32> to vector<1x16xf32>
          tpu.vector_store %arg10[%swap3A_581, %swap3A_582], %swap3A_585 {strides = array<i32>} : memref<80x128xf32, #tpu.memory_space<vmem>>, vector<1x16xf32>,
          %get3A_586 = arith.index_cast %add3A_512 : i32 to index
          %get3A_587 = arith.constant 112 : index
          %get3A_588 = tpu.vector_load %arg10[%get3A_586, %get3A_587] {strides = array<i32>} : memref<80x128xf32, #tpu.memory_space<vmem>>, vector<1x16xf32>,
          %get3A_589 = vector.shape_cast %get3A_588 : vector<1x16xf32> to vector<16xf32>
          %mul3A_590 = arith.mulf %get3A_589, %broadcast_in_dim3A_515 : vector<16xf32>
          %swap3A_591 = arith.index_cast %add3A_512 : i32 to index
          %swap3A_592 = arith.constant 112 : index
          %swap3A_593 = tpu.vector_load %arg10[%swap3A_591, %swap3A_592] {strides = array<i32>} : memref<80x128xf32, #tpu.memory_space<vmem>>, vector<1x16xf32>,
          %swap3A_594 = vector.shape_cast %swap3A_593 : vector<1x16xf32> to vector<16xf32>
          %swap3A_595 = vector.shape_cast %mul3A_590 : vector<16xf32> to vector<1x16xf32>
          tpu.vector_store %arg10[%swap3A_591, %swap3A_592], %swap3A_595 {strides = array<i32>} : memref<80x128xf32, #tpu.memory_space<vmem>>, vector<1x16xf32>,
          %mul3A_596 = arith.constant 16 : i32
          %mul3A_597 = arith.muli %scan3A_71, %mul3A_596 : i32
          %add3A_598 = arith.constant 6 : i32
          %add3A_599 = arith.addi %mul3A_597, %add3A_598 : i32
          %slice3A_600 = vector.extract_strided_slice %get3A_77 {offsets = [6], sizes = [1], strides = [1]} : vector<16xf32> to vector<1xf32>
          %squeeze3A_601 = vector.extract %slice3A_600[0] : f32 from vector<1xf32>
          %broadcast_in_dim3A_602 = vector.broadcast %squeeze3A_601 : f32 to vector<16xf32>
          %get3A_603 = arith.index_cast %add3A_599 : i32 to index
          %get3A_604 = arith.constant 0 : index
          %get3A_605 = tpu.vector_load %arg10[%get3A_603, %get3A_604] {strides = array<i32>} : memref<80x128xf32, #tpu.memory_space<vmem>>, vector<1x16xf32>,
          %get3A_606 = vector.shape_cast %get3A_605 : vector<1x16xf32> to vector<16xf32>
          %mul3A_607 = arith.mulf %get3A_606, %broadcast_in_dim3A_602 : vector<16xf32>
          %swap3A_608 = arith.index_cast %add3A_599 : i32 to index
          %swap3A_609 = arith.constant 0 : index
          %swap3A_610 = tpu.vector_load %arg10[%swap3A_608, %swap3A_609] {strides = array<i32>} : memref<80x128xf32, #tpu.memory_space<vmem>>, vector<1x16xf32>,
          %swap3A_611 = vector.shape_cast %swap3A_610 : vector<1x16xf32> to vector<16xf32>
          %swap3A_612 = vector.shape_cast %mul3A_607 : vector<16xf32> to vector<1x16xf32>
          tpu.vector_store %arg10[%swap3A_608, %swap3A_609], %swap3A_612 {strides = array<i32>} : memref<80x128xf32, #tpu.memory_space<vmem>>, vector<1x16xf32>,
          %get3A_613 = arith.index_cast %add3A_599 : i32 to index
          %get3A_614 = arith.constant 16 : index
          %get3A_615 = tpu.vector_load %arg10[%get3A_613, %get3A_614] {strides = array<i32>} : memref<80x128xf32, #tpu.memory_space<vmem>>, vector<1x16xf32>,
          %get3A_616 = vector.shape_cast %get3A_615 : vector<1x16xf32> to vector<16xf32>
          %mul3A_617 = arith.mulf %get3A_616, %broadcast_in_dim3A_602 : vector<16xf32>
          %swap3A_618 = arith.index_cast %add3A_599 : i32 to index
          %swap3A_619 = arith.constant 16 : index
          %swap3A_620 = tpu.vector_load %arg10[%swap3A_618, %swap3A_619] {strides = array<i32>} : memref<80x128xf32, #tpu.memory_space<vmem>>, vector<1x16xf32>,
          %swap3A_621 = vector.shape_cast %swap3A_620 : vector<1x16xf32> to vector<16xf32>
          %swap3A_622 = vector.shape_cast %mul3A_617 : vector<16xf32> to vector<1x16xf32>
          tpu.vector_store %arg10[%swap3A_618, %swap3A_619], %swap3A_622 {strides = array<i32>} : memref<80x128xf32, #tpu.memory_space<vmem>>, vector<1x16xf32>,
          %get3A_623 = arith.index_cast %add3A_599 : i32 to index
          %get3A_624 = arith.constant 32 : index
          %get3A_625 = tpu.vector_load %arg10[%get3A_623, %get3A_624] {strides = array<i32>} : memref<80x128xf32, #tpu.memory_space<vmem>>, vector<1x16xf32>,
          %get3A_626 = vector.shape_cast %get3A_625 : vector<1x16xf32> to vector<16xf32>
          %mul3A_627 = arith.mulf %get3A_626, %broadcast_in_dim3A_602 : vector<16xf32>
          %swap3A_628 = arith.index_cast %add3A_599 : i32 to index
          %swap3A_629 = arith.constant 32 : index
          %swap3A_630 = tpu.vector_load %arg10[%swap3A_628, %swap3A_629] {strides = array<i32>} : memref<80x128xf32, #tpu.memory_space<vmem>>, vector<1x16xf32>,
          %swap3A_631 = vector.shape_cast %swap3A_630 : vector<1x16xf32> to vector<16xf32>
          %swap3A_632 = vector.shape_cast %mul3A_627 : vector<16xf32> to vector<1x16xf32>
          tpu.vector_store %arg10[%swap3A_628, %swap3A_629], %swap3A_632 {strides = array<i32>} : memref<80x128xf32, #tpu.memory_space<vmem>>, vector<1x16xf32>,
          %get3A_633 = arith.index_cast %add3A_599 : i32 to index
          %get3A_634 = arith.constant 48 : index
          %get3A_635 = tpu.vector_load %arg10[%get3A_633, %get3A_634] {strides = array<i32>} : memref<80x128xf32, #tpu.memory_space<vmem>>, vector<1x16xf32>,
          %get3A_636 = vector.shape_cast %get3A_635 : vector<1x16xf32> to vector<16xf32>
          %mul3A_637 = arith.mulf %get3A_636, %broadcast_in_dim3A_602 : vector<16xf32>
          %swap3A_638 = arith.index_cast %add3A_599 : i32 to index
          %swap3A_639 = arith.constant 48 : index
          %swap3A_640 = tpu.vector_load %arg10[%swap3A_638, %swap3A_639] {strides = array<i32>} : memref<80x128xf32, #tpu.memory_space<vmem>>, vector<1x16xf32>,
          %swap3A_641 = vector.shape_cast %swap3A_640 : vector<1x16xf32> to vector<16xf32>
          %swap3A_642 = vector.shape_cast %mul3A_637 : vector<16xf32> to vector<1x16xf32>
          tpu.vector_store %arg10[%swap3A_638, %swap3A_639], %swap3A_642 {strides = array<i32>} : memref<80x128xf32, #tpu.memory_space<vmem>>, vector<1x16xf32>,
          %get3A_643 = arith.index_cast %add3A_599 : i32 to index
          %get3A_644 = arith.constant 64 : index
          %get3A_645 = tpu.vector_load %arg10[%get3A_643, %get3A_644] {strides = array<i32>} : memref<80x128xf32, #tpu.memory_space<vmem>>, vector<1x16xf32>,
          %get3A_646 = vector.shape_cast %get3A_645 : vector<1x16xf32> to vector<16xf32>
          %mul3A_647 = arith.mulf %get3A_646, %broadcast_in_dim3A_602 : vector<16xf32>
          %swap3A_648 = arith.index_cast %add3A_599 : i32 to index
          %swap3A_649 = arith.constant 64 : index
          %swap3A_650 = tpu.vector_load %arg10[%swap3A_648, %swap3A_649] {strides = array<i32>} : memref<80x128xf32, #tpu.memory_space<vmem>>, vector<1x16xf32>,
          %swap3A_651 = vector.shape_cast %swap3A_650 : vector<1x16xf32> to vector<16xf32>
          %swap3A_652 = vector.shape_cast %mul3A_647 : vector<16xf32> to vector<1x16xf32>
          tpu.vector_store %arg10[%swap3A_648, %swap3A_649], %swap3A_652 {strides = array<i32>} : memref<80x128xf32, #tpu.memory_space<vmem>>, vector<1x16xf32>,
          %get3A_653 = arith.index_cast %add3A_599 : i32 to index
          %get3A_654 = arith.constant 80 : index
          %get3A_655 = tpu.vector_load %arg10[%get3A_653, %get3A_654] {strides = array<i32>} : memref<80x128xf32, #tpu.memory_space<vmem>>, vector<1x16xf32>,
          %get3A_656 = vector.shape_cast %get3A_655 : vector<1x16xf32> to vector<16xf32>
          %mul3A_657 = arith.mulf %get3A_656, %broadcast_in_dim3A_602 : vector<16xf32>
          %swap3A_658 = arith.index_cast %add3A_599 : i32 to index
          %swap3A_659 = arith.constant 80 : index
          %swap3A_660 = tpu.vector_load %arg10[%swap3A_658, %swap3A_659] {strides = array<i32>} : memref<80x128xf32, #tpu.memory_space<vmem>>, vector<1x16xf32>,
          %swap3A_661 = vector.shape_cast %swap3A_660 : vector<1x16xf32> to vector<16xf32>
          %swap3A_662 = vector.shape_cast %mul3A_657 : vector<16xf32> to vector<1x16xf32>
          tpu.vector_store %arg10[%swap3A_658, %swap3A_659], %swap3A_662 {strides = array<i32>} : memref<80x128xf32, #tpu.memory_space<vmem>>, vector<1x16xf32>,
          %get3A_663 = arith.index_cast %add3A_599 : i32 to index
          %get3A_664 = arith.constant 96 : index
          %get3A_665 = tpu.vector_load %arg10[%get3A_663, %get3A_664] {strides = array<i32>} : memref<80x128xf32, #tpu.memory_space<vmem>>, vector<1x16xf32>,
          %get3A_666 = vector.shape_cast %get3A_665 : vector<1x16xf32> to vector<16xf32>
          %mul3A_667 = arith.mulf %get3A_666, %broadcast_in_dim3A_602 : vector<16xf32>
          %swap3A_668 = arith.index_cast %add3A_599 : i32 to index
          %swap3A_669 = arith.constant 96 : index
          %swap3A_670 = tpu.vector_load %arg10[%swap3A_668, %swap3A_669] {strides = array<i32>} : memref<80x128xf32, #tpu.memory_space<vmem>>, vector<1x16xf32>,
          %swap3A_671 = vector.shape_cast %swap3A_670 : vector<1x16xf32> to vector<16xf32>
          %swap3A_672 = vector.shape_cast %mul3A_667 : vector<16xf32> to vector<1x16xf32>
          tpu.vector_store %arg10[%swap3A_668, %swap3A_669], %swap3A_672 {strides = array<i32>} : memref<80x128xf32, #tpu.memory_space<vmem>>, vector<1x16xf32>,
          %get3A_673 = arith.index_cast %add3A_599 : i32 to index
          %get3A_674 = arith.constant 112 : index
          %get3A_675 = tpu.vector_load %arg10[%get3A_673, %get3A_674] {strides = array<i32>} : memref<80x128xf32, #tpu.memory_space<vmem>>, vector<1x16xf32>,
          %get3A_676 = vector.shape_cast %get3A_675 : vector<1x16xf32> to vector<16xf32>
          %mul3A_677 = arith.mulf %get3A_676, %broadcast_in_dim3A_602 : vector<16xf32>
          %swap3A_678 = arith.index_cast %add3A_599 : i32 to index
          %swap3A_679 = arith.constant 112 : index
          %swap3A_680 = tpu.vector_load %arg10[%swap3A_678, %swap3A_679] {strides = array<i32>} : memref<80x128xf32, #tpu.memory_space<vmem>>, vector<1x16xf32>,
          %swap3A_681 = vector.shape_cast %swap3A_680 : vector<1x16xf32> to vector<16xf32>
          %swap3A_682 = vector.shape_cast %mul3A_677 : vector<16xf32> to vector<1x16xf32>
          tpu.vector_store %arg10[%swap3A_678, %swap3A_679], %swap3A_682 {strides = array<i32>} : memref<80x128xf32, #tpu.memory_space<vmem>>, vector<1x16xf32>,
          %mul3A_683 = arith.constant 16 : i32
          %mul3A_684 = arith.muli %scan3A_71, %mul3A_683 : i32
          %add3A_685 = arith.constant 7 : i32
          %add3A_686 = arith.addi %mul3A_684, %add3A_685 : i32
          %slice3A_687 = vector.extract_strided_slice %get3A_77 {offsets = [7], sizes = [1], strides = [1]} : vector<16xf32> to vector<1xf32>
          %squeeze3A_688 = vector.extract %slice3A_687[0] : f32 from vector<1xf32>
          %broadcast_in_dim3A_689 = vector.broadcast %squeeze3A_688 : f32 to vector<16xf32>
          %get3A_690 = arith.index_cast %add3A_686 : i32 to index
          %get3A_691 = arith.constant 0 : index
          %get3A_692 = tpu.vector_load %arg10[%get3A_690, %get3A_691] {strides = array<i32>} : memref<80x128xf32, #tpu.memory_space<vmem>>, vector<1x16xf32>,
          %get3A_693 = vector.shape_cast %get3A_692 : vector<1x16xf32> to vector<16xf32>
          %mul3A_694 = arith.mulf %get3A_693, %broadcast_in_dim3A_689 : vector<16xf32>
          %swap3A_695 = arith.index_cast %add3A_686 : i32 to index
          %swap3A_696 = arith.constant 0 : index
          %swap3A_697 = tpu.vector_load %arg10[%swap3A_695, %swap3A_696] {strides = array<i32>} : memref<80x128xf32, #tpu.memory_space<vmem>>, vector<1x16xf32>,
          %swap3A_698 = vector.shape_cast %swap3A_697 : vector<1x16xf32> to vector<16xf32>
          %swap3A_699 = vector.shape_cast %mul3A_694 : vector<16xf32> to vector<1x16xf32>
          tpu.vector_store %arg10[%swap3A_695, %swap3A_696], %swap3A_699 {strides = array<i32>} : memref<80x128xf32, #tpu.memory_space<vmem>>, vector<1x16xf32>,
          %get3A_700 = arith.index_cast %add3A_686 : i32 to index
          %get3A_701 = arith.constant 16 : index
          %get3A_702 = tpu.vector_load %arg10[%get3A_700, %get3A_701] {strides = array<i32>} : memref<80x128xf32, #tpu.memory_space<vmem>>, vector<1x16xf32>,
          %get3A_703 = vector.shape_cast %get3A_702 : vector<1x16xf32> to vector<16xf32>
          %mul3A_704 = arith.mulf %get3A_703, %broadcast_in_dim3A_689 : vector<16xf32>
          %swap3A_705 = arith.index_cast %add3A_686 : i32 to index
          %swap3A_706 = arith.constant 16 : index
          %swap3A_707 = tpu.vector_load %arg10[%swap3A_705, %swap3A_706] {strides = array<i32>} : memref<80x128xf32, #tpu.memory_space<vmem>>, vector<1x16xf32>,
          %swap3A_708 = vector.shape_cast %swap3A_707 : vector<1x16xf32> to vector<16xf32>
          %swap3A_709 = vector.shape_cast %mul3A_704 : vector<16xf32> to vector<1x16xf32>
          tpu.vector_store %arg10[%swap3A_705, %swap3A_706], %swap3A_709 {strides = array<i32>} : memref<80x128xf32, #tpu.memory_space<vmem>>, vector<1x16xf32>,
          %get3A_710 = arith.index_cast %add3A_686 : i32 to index
          %get3A_711 = arith.constant 32 : index
          %get3A_712 = tpu.vector_load %arg10[%get3A_710, %get3A_711] {strides = array<i32>} : memref<80x128xf32, #tpu.memory_space<vmem>>, vector<1x16xf32>,
          %get3A_713 = vector.shape_cast %get3A_712 : vector<1x16xf32> to vector<16xf32>
          %mul3A_714 = arith.mulf %get3A_713, %broadcast_in_dim3A_689 : vector<16xf32>
          %swap3A_715 = arith.index_cast %add3A_686 : i32 to index
          %swap3A_716 = arith.constant 32 : index
          %swap3A_717 = tpu.vector_load %arg10[%swap3A_715, %swap3A_716] {strides = array<i32>} : memref<80x128xf32, #tpu.memory_space<vmem>>, vector<1x16xf32>,
          %swap3A_718 = vector.shape_cast %swap3A_717 : vector<1x16xf32> to vector<16xf32>
          %swap3A_719 = vector.shape_cast %mul3A_714 : vector<16xf32> to vector<1x16xf32>
          tpu.vector_store %arg10[%swap3A_715, %swap3A_716], %swap3A_719 {strides = array<i32>} : memref<80x128xf32, #tpu.memory_space<vmem>>, vector<1x16xf32>,
          %get3A_720 = arith.index_cast %add3A_686 : i32 to index
          %get3A_721 = arith.constant 48 : index
          %get3A_722 = tpu.vector_load %arg10[%get3A_720, %get3A_721] {strides = array<i32>} : memref<80x128xf32, #tpu.memory_space<vmem>>, vector<1x16xf32>,
          %get3A_723 = vector.shape_cast %get3A_722 : vector<1x16xf32> to vector<16xf32>
          %mul3A_724 = arith.mulf %get3A_723, %broadcast_in_dim3A_689 : vector<16xf32>
          %swap3A_725 = arith.index_cast %add3A_686 : i32 to index
          %swap3A_726 = arith.constant 48 : index
          %swap3A_727 = tpu.vector_load %arg10[%swap3A_725, %swap3A_726] {strides = array<i32>} : memref<80x128xf32, #tpu.memory_space<vmem>>, vector<1x16xf32>,
          %swap3A_728 = vector.shape_cast %swap3A_727 : vector<1x16xf32> to vector<16xf32>
          %swap3A_729 = vector.shape_cast %mul3A_724 : vector<16xf32> to vector<1x16xf32>
          tpu.vector_store %arg10[%swap3A_725, %swap3A_726], %swap3A_729 {strides = array<i32>} : memref<80x128xf32, #tpu.memory_space<vmem>>, vector<1x16xf32>,
          %get3A_730 = arith.index_cast %add3A_686 : i32 to index
          %get3A_731 = arith.constant 64 : index
          %get3A_732 = tpu.vector_load %arg10[%get3A_730, %get3A_731] {strides = array<i32>} : memref<80x128xf32, #tpu.memory_space<vmem>>, vector<1x16xf32>,
          %get3A_733 = vector.shape_cast %get3A_732 : vector<1x16xf32> to vector<16xf32>
          %mul3A_734 = arith.mulf %get3A_733, %broadcast_in_dim3A_689 : vector<16xf32>
          %swap3A_735 = arith.index_cast %add3A_686 : i32 to index
          %swap3A_736 = arith.constant 64 : index
          %swap3A_737 = tpu.vector_load %arg10[%swap3A_735, %swap3A_736] {strides = array<i32>} : memref<80x128xf32, #tpu.memory_space<vmem>>, vector<1x16xf32>,
          %swap3A_738 = vector.shape_cast %swap3A_737 : vector<1x16xf32> to vector<16xf32>
          %swap3A_739 = vector.shape_cast %mul3A_734 : vector<16xf32> to vector<1x16xf32>
          tpu.vector_store %arg10[%swap3A_735, %swap3A_736], %swap3A_739 {strides = array<i32>} : memref<80x128xf32, #tpu.memory_space<vmem>>, vector<1x16xf32>,
          %get3A_740 = arith.index_cast %add3A_686 : i32 to index
          %get3A_741 = arith.constant 80 : index
          %get3A_742 = tpu.vector_load %arg10[%get3A_740, %get3A_741] {strides = array<i32>} : memref<80x128xf32, #tpu.memory_space<vmem>>, vector<1x16xf32>,
          %get3A_743 = vector.shape_cast %get3A_742 : vector<1x16xf32> to vector<16xf32>
          %mul3A_744 = arith.mulf %get3A_743, %broadcast_in_dim3A_689 : vector<16xf32>
          %swap3A_745 = arith.index_cast %add3A_686 : i32 to index
          %swap3A_746 = arith.constant 80 : index
          %swap3A_747 = tpu.vector_load %arg10[%swap3A_745, %swap3A_746] {strides = array<i32>} : memref<80x128xf32, #tpu.memory_space<vmem>>, vector<1x16xf32>,
          %swap3A_748 = vector.shape_cast %swap3A_747 : vector<1x16xf32> to vector<16xf32>
          %swap3A_749 = vector.shape_cast %mul3A_744 : vector<16xf32> to vector<1x16xf32>
          tpu.vector_store %arg10[%swap3A_745, %swap3A_746], %swap3A_749 {strides = array<i32>} : memref<80x128xf32, #tpu.memory_space<vmem>>, vector<1x16xf32>,
          %get3A_750 = arith.index_cast %add3A_686 : i32 to index
          %get3A_751 = arith.constant 96 : index
          %get3A_752 = tpu.vector_load %arg10[%get3A_750, %get3A_751] {strides = array<i32>} : memref<80x128xf32, #tpu.memory_space<vmem>>, vector<1x16xf32>,
          %get3A_753 = vector.shape_cast %get3A_752 : vector<1x16xf32> to vector<16xf32>
          %mul3A_754 = arith.mulf %get3A_753, %broadcast_in_dim3A_689 : vector<16xf32>
          %swap3A_755 = arith.index_cast %add3A_686 : i32 to index
          %swap3A_756 = arith.constant 96 : index
          %swap3A_757 = tpu.vector_load %arg10[%swap3A_755, %swap3A_756] {strides = array<i32>} : memref<80x128xf32, #tpu.memory_space<vmem>>, vector<1x16xf32>,
          %swap3A_758 = vector.shape_cast %swap3A_757 : vector<1x16xf32> to vector<16xf32>
          %swap3A_759 = vector.shape_cast %mul3A_754 : vector<16xf32> to vector<1x16xf32>
          tpu.vector_store %arg10[%swap3A_755, %swap3A_756], %swap3A_759 {strides = array<i32>} : memref<80x128xf32, #tpu.memory_space<vmem>>, vector<1x16xf32>,
          %get3A_760 = arith.index_cast %add3A_686 : i32 to index
          %get3A_761 = arith.constant 112 : index
          %get3A_762 = tpu.vector_load %arg10[%get3A_760, %get3A_761] {strides = array<i32>} : memref<80x128xf32, #tpu.memory_space<vmem>>, vector<1x16xf32>,
          %get3A_763 = vector.shape_cast %get3A_762 : vector<1x16xf32> to vector<16xf32>
          %mul3A_764 = arith.mulf %get3A_763, %broadcast_in_dim3A_689 : vector<16xf32>
          %swap3A_765 = arith.index_cast %add3A_686 : i32 to index
          %swap3A_766 = arith.constant 112 : index
          %swap3A_767 = tpu.vector_load %arg10[%swap3A_765, %swap3A_766] {strides = array<i32>} : memref<80x128xf32, #tpu.memory_space<vmem>>, vector<1x16xf32>,
          %swap3A_768 = vector.shape_cast %swap3A_767 : vector<1x16xf32> to vector<16xf32>
          %swap3A_769 = vector.shape_cast %mul3A_764 : vector<16xf32> to vector<1x16xf32>
          tpu.vector_store %arg10[%swap3A_765, %swap3A_766], %swap3A_769 {strides = array<i32>} : memref<80x128xf32, #tpu.memory_space<vmem>>, vector<1x16xf32>,
          %mul3A_770 = arith.constant 16 : i32
          %mul3A_771 = arith.muli %scan3A_71, %mul3A_770 : i32
          %add3A_772 = arith.constant 8 : i32
          %add3A_773 = arith.addi %mul3A_771, %add3A_772 : i32
          %slice3A_774 = vector.extract_strided_slice %get3A_77 {offsets = [8], sizes = [1], strides = [1]} : vector<16xf32> to vector<1xf32>
          %squeeze3A_775 = vector.extract %slice3A_774[0] : f32 from vector<1xf32>
          %broadcast_in_dim3A_776 = vector.broadcast %squeeze3A_775 : f32 to vector<16xf32>
          %get3A_777 = arith.index_cast %add3A_773 : i32 to index
          %get3A_778 = arith.constant 0 : index
          %get3A_779 = tpu.vector_load %arg10[%get3A_777, %get3A_778] {strides = array<i32>} : memref<80x128xf32, #tpu.memory_space<vmem>>, vector<1x16xf32>,
          %get3A_780 = vector.shape_cast %get3A_779 : vector<1x16xf32> to vector<16xf32>
          %mul3A_781 = arith.mulf %get3A_780, %broadcast_in_dim3A_776 : vector<16xf32>
          %swap3A_782 = arith.index_cast %add3A_773 : i32 to index
          %swap3A_783 = arith.constant 0 : index
          %swap3A_784 = tpu.vector_load %arg10[%swap3A_782, %swap3A_783] {strides = array<i32>} : memref<80x128xf32, #tpu.memory_space<vmem>>, vector<1x16xf32>,
          %swap3A_785 = vector.shape_cast %swap3A_784 : vector<1x16xf32> to vector<16xf32>
          %swap3A_786 = vector.shape_cast %mul3A_781 : vector<16xf32> to vector<1x16xf32>
          tpu.vector_store %arg10[%swap3A_782, %swap3A_783], %swap3A_786 {strides = array<i32>} : memref<80x128xf32, #tpu.memory_space<vmem>>, vector<1x16xf32>,
          %get3A_787 = arith.index_cast %add3A_773 : i32 to index
          %get3A_788 = arith.constant 16 : index
          %get3A_789 = tpu.vector_load %arg10[%get3A_787, %get3A_788] {strides = array<i32>} : memref<80x128xf32, #tpu.memory_space<vmem>>, vector<1x16xf32>,
          %get3A_790 = vector.shape_cast %get3A_789 : vector<1x16xf32> to vector<16xf32>
          %mul3A_791 = arith.mulf %get3A_790, %broadcast_in_dim3A_776 : vector<16xf32>
          %swap3A_792 = arith.index_cast %add3A_773 : i32 to index
          %swap3A_793 = arith.constant 16 : index
          %swap3A_794 = tpu.vector_load %arg10[%swap3A_792, %swap3A_793] {strides = array<i32>} : memref<80x128xf32, #tpu.memory_space<vmem>>, vector<1x16xf32>,
          %swap3A_795 = vector.shape_cast %swap3A_794 : vector<1x16xf32> to vector<16xf32>
          %swap3A_796 = vector.shape_cast %mul3A_791 : vector<16xf32> to vector<1x16xf32>
          tpu.vector_store %arg10[%swap3A_792, %swap3A_793], %swap3A_796 {strides = array<i32>} : memref<80x128xf32, #tpu.memory_space<vmem>>, vector<1x16xf32>,
          %get3A_797 = arith.index_cast %add3A_773 : i32 to index
          %get3A_798 = arith.constant 32 : index
          %get3A_799 = tpu.vector_load %arg10[%get3A_797, %get3A_798] {strides = array<i32>} : memref<80x128xf32, #tpu.memory_space<vmem>>, vector<1x16xf32>,
          %get3A_800 = vector.shape_cast %get3A_799 : vector<1x16xf32> to vector<16xf32>
          %mul3A_801 = arith.mulf %get3A_800, %broadcast_in_dim3A_776 : vector<16xf32>
          %swap3A_802 = arith.index_cast %add3A_773 : i32 to index
          %swap3A_803 = arith.constant 32 : index
          %swap3A_804 = tpu.vector_load %arg10[%swap3A_802, %swap3A_803] {strides = array<i32>} : memref<80x128xf32, #tpu.memory_space<vmem>>, vector<1x16xf32>,
          %swap3A_805 = vector.shape_cast %swap3A_804 : vector<1x16xf32> to vector<16xf32>
          %swap3A_806 = vector.shape_cast %mul3A_801 : vector<16xf32> to vector<1x16xf32>
          tpu.vector_store %arg10[%swap3A_802, %swap3A_803], %swap3A_806 {strides = array<i32>} : memref<80x128xf32, #tpu.memory_space<vmem>>, vector<1x16xf32>,
          %get3A_807 = arith.index_cast %add3A_773 : i32 to index
          %get3A_808 = arith.constant 48 : index
          %get3A_809 = tpu.vector_load %arg10[%get3A_807, %get3A_808] {strides = array<i32>} : memref<80x128xf32, #tpu.memory_space<vmem>>, vector<1x16xf32>,
          %get3A_810 = vector.shape_cast %get3A_809 : vector<1x16xf32> to vector<16xf32>
          %mul3A_811 = arith.mulf %get3A_810, %broadcast_in_dim3A_776 : vector<16xf32>
          %swap3A_812 = arith.index_cast %add3A_773 : i32 to index
          %swap3A_813 = arith.constant 48 : index
          %swap3A_814 = tpu.vector_load %arg10[%swap3A_812, %swap3A_813] {strides = array<i32>} : memref<80x128xf32, #tpu.memory_space<vmem>>, vector<1x16xf32>,
          %swap3A_815 = vector.shape_cast %swap3A_814 : vector<1x16xf32> to vector<16xf32>
          %swap3A_816 = vector.shape_cast %mul3A_811 : vector<16xf32> to vector<1x16xf32>
          tpu.vector_store %arg10[%swap3A_812, %swap3A_813], %swap3A_816 {strides = array<i32>} : memref<80x128xf32, #tpu.memory_space<vmem>>, vector<1x16xf32>,
          %get3A_817 = arith.index_cast %add3A_773 : i32 to index
          %get3A_818 = arith.constant 64 : index
          %get3A_819 = tpu.vector_load %arg10[%get3A_817, %get3A_818] {strides = array<i32>} : memref<80x128xf32, #tpu.memory_space<vmem>>, vector<1x16xf32>,
          %get3A_820 = vector.shape_cast %get3A_819 : vector<1x16xf32> to vector<16xf32>
          %mul3A_821 = arith.mulf %get3A_820, %broadcast_in_dim3A_776 : vector<16xf32>
          %swap3A_822 = arith.index_cast %add3A_773 : i32 to index
          %swap3A_823 = arith.constant 64 : index
          %swap3A_824 = tpu.vector_load %arg10[%swap3A_822, %swap3A_823] {strides = array<i32>} : memref<80x128xf32, #tpu.memory_space<vmem>>, vector<1x16xf32>,
          %swap3A_825 = vector.shape_cast %swap3A_824 : vector<1x16xf32> to vector<16xf32>
          %swap3A_826 = vector.shape_cast %mul3A_821 : vector<16xf32> to vector<1x16xf32>
          tpu.vector_store %arg10[%swap3A_822, %swap3A_823], %swap3A_826 {strides = array<i32>} : memref<80x128xf32, #tpu.memory_space<vmem>>, vector<1x16xf32>,
          %get3A_827 = arith.index_cast %add3A_773 : i32 to index
          %get3A_828 = arith.constant 80 : index
          %get3A_829 = tpu.vector_load %arg10[%get3A_827, %get3A_828] {strides = array<i32>} : memref<80x128xf32, #tpu.memory_space<vmem>>, vector<1x16xf32>,
          %get3A_830 = vector.shape_cast %get3A_829 : vector<1x16xf32> to vector<16xf32>
          %mul3A_831 = arith.mulf %get3A_830, %broadcast_in_dim3A_776 : vector<16xf32>
          %swap3A_832 = arith.index_cast %add3A_773 : i32 to index
          %swap3A_833 = arith.constant 80 : index
          %swap3A_834 = tpu.vector_load %arg10[%swap3A_832, %swap3A_833] {strides = array<i32>} : memref<80x128xf32, #tpu.memory_space<vmem>>, vector<1x16xf32>,
          %swap3A_835 = vector.shape_cast %swap3A_834 : vector<1x16xf32> to vector<16xf32>
          %swap3A_836 = vector.shape_cast %mul3A_831 : vector<16xf32> to vector<1x16xf32>
          tpu.vector_store %arg10[%swap3A_832, %swap3A_833], %swap3A_836 {strides = array<i32>} : memref<80x128xf32, #tpu.memory_space<vmem>>, vector<1x16xf32>,
          %get3A_837 = arith.index_cast %add3A_773 : i32 to index
          %get3A_838 = arith.constant 96 : index
          %get3A_839 = tpu.vector_load %arg10[%get3A_837, %get3A_838] {strides = array<i32>} : memref<80x128xf32, #tpu.memory_space<vmem>>, vector<1x16xf32>,
          %get3A_840 = vector.shape_cast %get3A_839 : vector<1x16xf32> to vector<16xf32>
          %mul3A_841 = arith.mulf %get3A_840, %broadcast_in_dim3A_776 : vector<16xf32>
          %swap3A_842 = arith.index_cast %add3A_773 : i32 to index
          %swap3A_843 = arith.constant 96 : index
          %swap3A_844 = tpu.vector_load %arg10[%swap3A_842, %swap3A_843] {strides = array<i32>} : memref<80x128xf32, #tpu.memory_space<vmem>>, vector<1x16xf32>,
          %swap3A_845 = vector.shape_cast %swap3A_844 : vector<1x16xf32> to vector<16xf32>
          %swap3A_846 = vector.shape_cast %mul3A_841 : vector<16xf32> to vector<1x16xf32>
          tpu.vector_store %arg10[%swap3A_842, %swap3A_843], %swap3A_846 {strides = array<i32>} : memref<80x128xf32, #tpu.memory_space<vmem>>, vector<1x16xf32>,
          %get3A_847 = arith.index_cast %add3A_773 : i32 to index
          %get3A_848 = arith.constant 112 : index
          %get3A_849 = tpu.vector_load %arg10[%get3A_847, %get3A_848] {strides = array<i32>} : memref<80x128xf32, #tpu.memory_space<vmem>>, vector<1x16xf32>,
          %get3A_850 = vector.shape_cast %get3A_849 : vector<1x16xf32> to vector<16xf32>
          %mul3A_851 = arith.mulf %get3A_850, %broadcast_in_dim3A_776 : vector<16xf32>
          %swap3A_852 = arith.index_cast %add3A_773 : i32 to index
          %swap3A_853 = arith.constant 112 : index
          %swap3A_854 = tpu.vector_load %arg10[%swap3A_852, %swap3A_853] {strides = array<i32>} : memref<80x128xf32, #tpu.memory_space<vmem>>, vector<1x16xf32>,
          %swap3A_855 = vector.shape_cast %swap3A_854 : vector<1x16xf32> to vector<16xf32>
          %swap3A_856 = vector.shape_cast %mul3A_851 : vector<16xf32> to vector<1x16xf32>
          tpu.vector_store %arg10[%swap3A_852, %swap3A_853], %swap3A_856 {strides = array<i32>} : memref<80x128xf32, #tpu.memory_space<vmem>>, vector<1x16xf32>,
          %mul3A_857 = arith.constant 16 : i32
          %mul3A_858 = arith.muli %scan3A_71, %mul3A_857 : i32
          %add3A_859 = arith.constant 9 : i32
          %add3A_860 = arith.addi %mul3A_858, %add3A_859 : i32
          %slice3A_861 = vector.extract_strided_slice %get3A_77 {offsets = [9], sizes = [1], strides = [1]} : vector<16xf32> to vector<1xf32>
          %squeeze3A_862 = vector.extract %slice3A_861[0] : f32 from vector<1xf32>
          %broadcast_in_dim3A_863 = vector.broadcast %squeeze3A_862 : f32 to vector<16xf32>
          %get3A_864 = arith.index_cast %add3A_860 : i32 to index
          %get3A_865 = arith.constant 0 : index
          %get3A_866 = tpu.vector_load %arg10[%get3A_864, %get3A_865] {strides = array<i32>} : memref<80x128xf32, #tpu.memory_space<vmem>>, vector<1x16xf32>,
          %get3A_867 = vector.shape_cast %get3A_866 : vector<1x16xf32> to vector<16xf32>
          %mul3A_868 = arith.mulf %get3A_867, %broadcast_in_dim3A_863 : vector<16xf32>
          %swap3A_869 = arith.index_cast %add3A_860 : i32 to index
          %swap3A_870 = arith.constant 0 : index
          %swap3A_871 = tpu.vector_load %arg10[%swap3A_869, %swap3A_870] {strides = array<i32>} : memref<80x128xf32, #tpu.memory_space<vmem>>, vector<1x16xf32>,
          %swap3A_872 = vector.shape_cast %swap3A_871 : vector<1x16xf32> to vector<16xf32>
          %swap3A_873 = vector.shape_cast %mul3A_868 : vector<16xf32> to vector<1x16xf32>
          tpu.vector_store %arg10[%swap3A_869, %swap3A_870], %swap3A_873 {strides = array<i32>} : memref<80x128xf32, #tpu.memory_space<vmem>>, vector<1x16xf32>,
          %get3A_874 = arith.index_cast %add3A_860 : i32 to index
          %get3A_875 = arith.constant 16 : index
          %get3A_876 = tpu.vector_load %arg10[%get3A_874, %get3A_875] {strides = array<i32>} : memref<80x128xf32, #tpu.memory_space<vmem>>, vector<1x16xf32>,
          %get3A_877 = vector.shape_cast %get3A_876 : vector<1x16xf32> to vector<16xf32>
          %mul3A_878 = arith.mulf %get3A_877, %broadcast_in_dim3A_863 : vector<16xf32>
          %swap3A_879 = arith.index_cast %add3A_860 : i32 to index
          %swap3A_880 = arith.constant 16 : index
          %swap3A_881 = tpu.vector_load %arg10[%swap3A_879, %swap3A_880] {strides = array<i32>} : memref<80x128xf32, #tpu.memory_space<vmem>>, vector<1x16xf32>,
          %swap3A_882 = vector.shape_cast %swap3A_881 : vector<1x16xf32> to vector<16xf32>
          %swap3A_883 = vector.shape_cast %mul3A_878 : vector<16xf32> to vector<1x16xf32>
          tpu.vector_store %arg10[%swap3A_879, %swap3A_880], %swap3A_883 {strides = array<i32>} : memref<80x128xf32, #tpu.memory_space<vmem>>, vector<1x16xf32>,
          %get3A_884 = arith.index_cast %add3A_860 : i32 to index
          %get3A_885 = arith.constant 32 : index
          %get3A_886 = tpu.vector_load %arg10[%get3A_884, %get3A_885] {strides = array<i32>} : memref<80x128xf32, #tpu.memory_space<vmem>>, vector<1x16xf32>,
          %get3A_887 = vector.shape_cast %get3A_886 : vector<1x16xf32> to vector<16xf32>
          %mul3A_888 = arith.mulf %get3A_887, %broadcast_in_dim3A_863 : vector<16xf32>
          %swap3A_889 = arith.index_cast %add3A_860 : i32 to index
          %swap3A_890 = arith.constant 32 : index
          %swap3A_891 = tpu.vector_load %arg10[%swap3A_889, %swap3A_890] {strides = array<i32>} : memref<80x128xf32, #tpu.memory_space<vmem>>, vector<1x16xf32>,
          %swap3A_892 = vector.shape_cast %swap3A_891 : vector<1x16xf32> to vector<16xf32>
          %swap3A_893 = vector.shape_cast %mul3A_888 : vector<16xf32> to vector<1x16xf32>
          tpu.vector_store %arg10[%swap3A_889, %swap3A_890], %swap3A_893 {strides = array<i32>} : memref<80x128xf32, #tpu.memory_space<vmem>>, vector<1x16xf32>,
          %get3A_894 = arith.index_cast %add3A_860 : i32 to index
          %get3A_895 = arith.constant 48 : index
          %get3A_896 = tpu.vector_load %arg10[%get3A_894, %get3A_895] {strides = array<i32>} : memref<80x128xf32, #tpu.memory_space<vmem>>, vector<1x16xf32>,
          %get3A_897 = vector.shape_cast %get3A_896 : vector<1x16xf32> to vector<16xf32>
          %mul3A_898 = arith.mulf %get3A_897, %broadcast_in_dim3A_863 : vector<16xf32>
          %swap3A_899 = arith.index_cast %add3A_860 : i32 to index
          %swap3A_900 = arith.constant 48 : index
          %swap3A_901 = tpu.vector_load %arg10[%swap3A_899, %swap3A_900] {strides = array<i32>} : memref<80x128xf32, #tpu.memory_space<vmem>>, vector<1x16xf32>,
          %swap3A_902 = vector.shape_cast %swap3A_901 : vector<1x16xf32> to vector<16xf32>
          %swap3A_903 = vector.shape_cast %mul3A_898 : vector<16xf32> to vector<1x16xf32>
          tpu.vector_store %arg10[%swap3A_899, %swap3A_900], %swap3A_903 {strides = array<i32>} : memref<80x128xf32, #tpu.memory_space<vmem>>, vector<1x16xf32>,
          %get3A_904 = arith.index_cast %add3A_860 : i32 to index
          %get3A_905 = arith.constant 64 : index
          %get3A_906 = tpu.vector_load %arg10[%get3A_904, %get3A_905] {strides = array<i32>} : memref<80x128xf32, #tpu.memory_space<vmem>>, vector<1x16xf32>,
          %get3A_907 = vector.shape_cast %get3A_906 : vector<1x16xf32> to vector<16xf32>
          %mul3A_908 = arith.mulf %get3A_907, %broadcast_in_dim3A_863 : vector<16xf32>
          %swap3A_909 = arith.index_cast %add3A_860 : i32 to index
          %swap3A_910 = arith.constant 64 : index
          %swap3A_911 = tpu.vector_load %arg10[%swap3A_909, %swap3A_910] {strides = array<i32>} : memref<80x128xf32, #tpu.memory_space<vmem>>, vector<1x16xf32>,
          %swap3A_912 = vector.shape_cast %swap3A_911 : vector<1x16xf32> to vector<16xf32>
          %swap3A_913 = vector.shape_cast %mul3A_908 : vector<16xf32> to vector<1x16xf32>
          tpu.vector_store %arg10[%swap3A_909, %swap3A_910], %swap3A_913 {strides = array<i32>} : memref<80x128xf32, #tpu.memory_space<vmem>>, vector<1x16xf32>,
          %get3A_914 = arith.index_cast %add3A_860 : i32 to index
          %get3A_915 = arith.constant 80 : index
          %get3A_916 = tpu.vector_load %arg10[%get3A_914, %get3A_915] {strides = array<i32>} : memref<80x128xf32, #tpu.memory_space<vmem>>, vector<1x16xf32>,
          %get3A_917 = vector.shape_cast %get3A_916 : vector<1x16xf32> to vector<16xf32>
          %mul3A_918 = arith.mulf %get3A_917, %broadcast_in_dim3A_863 : vector<16xf32>
          %swap3A_919 = arith.index_cast %add3A_860 : i32 to index
          %swap3A_920 = arith.constant 80 : index
          %swap3A_921 = tpu.vector_load %arg10[%swap3A_919, %swap3A_920] {strides = array<i32>} : memref<80x128xf32, #tpu.memory_space<vmem>>, vector<1x16xf32>,
          %swap3A_922 = vector.shape_cast %swap3A_921 : vector<1x16xf32> to vector<16xf32>
          %swap3A_923 = vector.shape_cast %mul3A_918 : vector<16xf32> to vector<1x16xf32>
          tpu.vector_store %arg10[%swap3A_919, %swap3A_920], %swap3A_923 {strides = array<i32>} : memref<80x128xf32, #tpu.memory_space<vmem>>, vector<1x16xf32>,
          %get3A_924 = arith.index_cast %add3A_860 : i32 to index
          %get3A_925 = arith.constant 96 : index
          %get3A_926 = tpu.vector_load %arg10[%get3A_924, %get3A_925] {strides = array<i32>} : memref<80x128xf32, #tpu.memory_space<vmem>>, vector<1x16xf32>,
          %get3A_927 = vector.shape_cast %get3A_926 : vector<1x16xf32> to vector<16xf32>
          %mul3A_928 = arith.mulf %get3A_927, %broadcast_in_dim3A_863 : vector<16xf32>
          %swap3A_929 = arith.index_cast %add3A_860 : i32 to index
          %swap3A_930 = arith.constant 96 : index
          %swap3A_931 = tpu.vector_load %arg10[%swap3A_929, %swap3A_930] {strides = array<i32>} : memref<80x128xf32, #tpu.memory_space<vmem>>, vector<1x16xf32>,
          %swap3A_932 = vector.shape_cast %swap3A_931 : vector<1x16xf32> to vector<16xf32>
          %swap3A_933 = vector.shape_cast %mul3A_928 : vector<16xf32> to vector<1x16xf32>
          tpu.vector_store %arg10[%swap3A_929, %swap3A_930], %swap3A_933 {strides = array<i32>} : memref<80x128xf32, #tpu.memory_space<vmem>>, vector<1x16xf32>,
          %get3A_934 = arith.index_cast %add3A_860 : i32 to index
          %get3A_935 = arith.constant 112 : index
          %get3A_936 = tpu.vector_load %arg10[%get3A_934, %get3A_935] {strides = array<i32>} : memref<80x128xf32, #tpu.memory_space<vmem>>, vector<1x16xf32>,
          %get3A_937 = vector.shape_cast %get3A_936 : vector<1x16xf32> to vector<16xf32>
          %mul3A_938 = arith.mulf %get3A_937, %broadcast_in_dim3A_863 : vector<16xf32>
          %swap3A_939 = arith.index_cast %add3A_860 : i32 to index
          %swap3A_940 = arith.constant 112 : index
          %swap3A_941 = tpu.vector_load %arg10[%swap3A_939, %swap3A_940] {strides = array<i32>} : memref<80x128xf32, #tpu.memory_space<vmem>>, vector<1x16xf32>,
          %swap3A_942 = vector.shape_cast %swap3A_941 : vector<1x16xf32> to vector<16xf32>
          %swap3A_943 = vector.shape_cast %mul3A_938 : vector<16xf32> to vector<1x16xf32>
          tpu.vector_store %arg10[%swap3A_939, %swap3A_940], %swap3A_943 {strides = array<i32>} : memref<80x128xf32, #tpu.memory_space<vmem>>, vector<1x16xf32>,
          %mul3A_944 = arith.constant 16 : i32
          %mul3A_945 = arith.muli %scan3A_71, %mul3A_944 : i32
          %add3A_946 = arith.constant 10 : i32
          %add3A_947 = arith.addi %mul3A_945, %add3A_946 : i32
          %slice3A_948 = vector.extract_strided_slice %get3A_77 {offsets = [10], sizes = [1], strides = [1]} : vector<16xf32> to vector<1xf32>
          %squeeze3A_949 = vector.extract %slice3A_948[0] : f32 from vector<1xf32>
          %broadcast_in_dim3A_950 = vector.broadcast %squeeze3A_949 : f32 to vector<16xf32>
          %get3A_951 = arith.index_cast %add3A_947 : i32 to index
          %get3A_952 = arith.constant 0 : index
          %get3A_953 = tpu.vector_load %arg10[%get3A_951, %get3A_952] {strides = array<i32>} : memref<80x128xf32, #tpu.memory_space<vmem>>, vector<1x16xf32>,
          %get3A_954 = vector.shape_cast %get3A_953 : vector<1x16xf32> to vector<16xf32>
          %mul3A_955 = arith.mulf %get3A_954, %broadcast_in_dim3A_950 : vector<16xf32>
          %swap3A_956 = arith.index_cast %add3A_947 : i32 to index
          %swap3A_957 = arith.constant 0 : index
          %swap3A_958 = tpu.vector_load %arg10[%swap3A_956, %swap3A_957] {strides = array<i32>} : memref<80x128xf32, #tpu.memory_space<vmem>>, vector<1x16xf32>,
          %swap3A_959 = vector.shape_cast %swap3A_958 : vector<1x16xf32> to vector<16xf32>
          %swap3A_960 = vector.shape_cast %mul3A_955 : vector<16xf32> to vector<1x16xf32>
          tpu.vector_store %arg10[%swap3A_956, %swap3A_957], %swap3A_960 {strides = array<i32>} : memref<80x128xf32, #tpu.memory_space<vmem>>, vector<1x16xf32>,
          %get3A_961 = arith.index_cast %add3A_947 : i32 to index
          %get3A_962 = arith.constant 16 : index
          %get3A_963 = tpu.vector_load %arg10[%get3A_961, %get3A_962] {strides = array<i32>} : memref<80x128xf32, #tpu.memory_space<vmem>>, vector<1x16xf32>,
          %get3A_964 = vector.shape_cast %get3A_963 : vector<1x16xf32> to vector<16xf32>
          %mul3A_965 = arith.mulf %get3A_964, %broadcast_in_dim3A_950 : vector<16xf32>
          %swap3A_966 = arith.index_cast %add3A_947 : i32 to index
          %swap3A_967 = arith.constant 16 : index
          %swap3A_968 = tpu.vector_load %arg10[%swap3A_966, %swap3A_967] {strides = array<i32>} : memref<80x128xf32, #tpu.memory_space<vmem>>, vector<1x16xf32>,
          %swap3A_969 = vector.shape_cast %swap3A_968 : vector<1x16xf32> to vector<16xf32>
          %swap3A_970 = vector.shape_cast %mul3A_965 : vector<16xf32> to vector<1x16xf32>
          tpu.vector_store %arg10[%swap3A_966, %swap3A_967], %swap3A_970 {strides = array<i32>} : memref<80x128xf32, #tpu.memory_space<vmem>>, vector<1x16xf32>,
          %get3A_971 = arith.index_cast %add3A_947 : i32 to index
          %get3A_972 = arith.constant 32 : index
          %get3A_973 = tpu.vector_load %arg10[%get3A_971, %get3A_972] {strides = array<i32>} : memref<80x128xf32, #tpu.memory_space<vmem>>, vector<1x16xf32>,
          %get3A_974 = vector.shape_cast %get3A_973 : vector<1x16xf32> to vector<16xf32>
          %mul3A_975 = arith.mulf %get3A_974, %broadcast_in_dim3A_950 : vector<16xf32>
          %swap3A_976 = arith.index_cast %add3A_947 : i32 to index
          %swap3A_977 = arith.constant 32 : index
          %swap3A_978 = tpu.vector_load %arg10[%swap3A_976, %swap3A_977] {strides = array<i32>} : memref<80x128xf32, #tpu.memory_space<vmem>>, vector<1x16xf32>,
          %swap3A_979 = vector.shape_cast %swap3A_978 : vector<1x16xf32> to vector<16xf32>
          %swap3A_980 = vector.shape_cast %mul3A_975 : vector<16xf32> to vector<1x16xf32>
          tpu.vector_store %arg10[%swap3A_976, %swap3A_977], %swap3A_980 {strides = array<i32>} : memref<80x128xf32, #tpu.memory_space<vmem>>, vector<1x16xf32>,
          %get3A_981 = arith.index_cast %add3A_947 : i32 to index
          %get3A_982 = arith.constant 48 : index
          %get3A_983 = tpu.vector_load %arg10[%get3A_981, %get3A_982] {strides = array<i32>} : memref<80x128xf32, #tpu.memory_space<vmem>>, vector<1x16xf32>,
          %get3A_984 = vector.shape_cast %get3A_983 : vector<1x16xf32> to vector<16xf32>
          %mul3A_985 = arith.mulf %get3A_984, %broadcast_in_dim3A_950 : vector<16xf32>
          %swap3A_986 = arith.index_cast %add3A_947 : i32 to index
          %swap3A_987 = arith.constant 48 : index
          %swap3A_988 = tpu.vector_load %arg10[%swap3A_986, %swap3A_987] {strides = array<i32>} : memref<80x128xf32, #tpu.memory_space<vmem>>, vector<1x16xf32>,
          %swap3A_989 = vector.shape_cast %swap3A_988 : vector<1x16xf32> to vector<16xf32>
          %swap3A_990 = vector.shape_cast %mul3A_985 : vector<16xf32> to vector<1x16xf32>
          tpu.vector_store %arg10[%swap3A_986, %swap3A_987], %swap3A_990 {strides = array<i32>} : memref<80x128xf32, #tpu.memory_space<vmem>>, vector<1x16xf32>,
          %get3A_991 = arith.index_cast %add3A_947 : i32 to index
          %get3A_992 = arith.constant 64 : index
          %get3A_993 = tpu.vector_load %arg10[%get3A_991, %get3A_992] {strides = array<i32>} : memref<80x128xf32, #tpu.memory_space<vmem>>, vector<1x16xf32>,
          %get3A_994 = vector.shape_cast %get3A_993 : vector<1x16xf32> to vector<16xf32>
          %mul3A_995 = arith.mulf %get3A_994, %broadcast_in_dim3A_950 : vector<16xf32>
          %swap3A_996 = arith.index_cast %add3A_947 : i32 to index
          %swap3A_997 = arith.constant 64 : index
          %swap3A_998 = tpu.vector_load %arg10[%swap3A_996, %swap3A_997] {strides = array<i32>} : memref<80x128xf32, #tpu.memory_space<vmem>>, vector<1x16xf32>,
          %swap3A_999 = vector.shape_cast %swap3A_998 : vector<1x16xf32> to vector<16xf32>
          %swap3A_1000 = vector.shape_cast %mul3A_995 : vector<16xf32> to vector<1x16xf32>
          tpu.vector_store %arg10[%swap3A_996, %swap3A_997], %swap3A_1000 {strides = array<i32>} : memref<80x128xf32, #tpu.memory_space<vmem>>, vector<1x16xf32>,
          %get3A_1001 = arith.index_cast %add3A_947 : i32 to index
          %get3A_1002 = arith.constant 80 : index
          %get3A_1003 = tpu.vector_load %arg10[%get3A_1001, %get3A_1002] {strides = array<i32>} : memref<80x128xf32, #tpu.memory_space<vmem>>, vector<1x16xf32>,
          %get3A_1004 = vector.shape_cast %get3A_1003 : vector<1x16xf32> to vector<16xf32>
          %mul3A_1005 = arith.mulf %get3A_1004, %broadcast_in_dim3A_950 : vector<16xf32>
          %swap3A_1006 = arith.index_cast %add3A_947 : i32 to index
          %swap3A_1007 = arith.constant 80 : index
          %swap3A_1008 = tpu.vector_load %arg10[%swap3A_1006, %swap3A_1007] {strides = array<i32>} : memref<80x128xf32, #tpu.memory_space<vmem>>, vector<1x16xf32>,
          %swap3A_1009 = vector.shape_cast %swap3A_1008 : vector<1x16xf32> to vector<16xf32>
          %swap3A_1010 = vector.shape_cast %mul3A_1005 : vector<16xf32> to vector<1x16xf32>
          tpu.vector_store %arg10[%swap3A_1006, %swap3A_1007], %swap3A_1010 {strides = array<i32>} : memref<80x128xf32, #tpu.memory_space<vmem>>, vector<1x16xf32>,
          %get3A_1011 = arith.index_cast %add3A_947 : i32 to index
          %get3A_1012 = arith.constant 96 : index
          %get3A_1013 = tpu.vector_load %arg10[%get3A_1011, %get3A_1012] {strides = array<i32>} : memref<80x128xf32, #tpu.memory_space<vmem>>, vector<1x16xf32>,
          %get3A_1014 = vector.shape_cast %get3A_1013 : vector<1x16xf32> to vector<16xf32>
          %mul3A_1015 = arith.mulf %get3A_1014, %broadcast_in_dim3A_950 : vector<16xf32>
          %swap3A_1016 = arith.index_cast %add3A_947 : i32 to index
          %swap3A_1017 = arith.constant 96 : index
          %swap3A_1018 = tpu.vector_load %arg10[%swap3A_1016, %swap3A_1017] {strides = array<i32>} : memref<80x128xf32, #tpu.memory_space<vmem>>, vector<1x16xf32>,
          %swap3A_1019 = vector.shape_cast %swap3A_1018 : vector<1x16xf32> to vector<16xf32>
          %swap3A_1020 = vector.shape_cast %mul3A_1015 : vector<16xf32> to vector<1x16xf32>
          tpu.vector_store %arg10[%swap3A_1016, %swap3A_1017], %swap3A_1020 {strides = array<i32>} : memref<80x128xf32, #tpu.memory_space<vmem>>, vector<1x16xf32>,
          %get3A_1021 = arith.index_cast %add3A_947 : i32 to index
          %get3A_1022 = arith.constant 112 : index
          %get3A_1023 = tpu.vector_load %arg10[%get3A_1021, %get3A_1022] {strides = array<i32>} : memref<80x128xf32, #tpu.memory_space<vmem>>, vector<1x16xf32>,
          %get3A_1024 = vector.shape_cast %get3A_1023 : vector<1x16xf32> to vector<16xf32>
          %mul3A_1025 = arith.mulf %get3A_1024, %broadcast_in_dim3A_950 : vector<16xf32>
          %swap3A_1026 = arith.index_cast %add3A_947 : i32 to index
          %swap3A_1027 = arith.constant 112 : index
          %swap3A_1028 = tpu.vector_load %arg10[%swap3A_1026, %swap3A_1027] {strides = array<i32>} : memref<80x128xf32, #tpu.memory_space<vmem>>, vector<1x16xf32>,
          %swap3A_1029 = vector.shape_cast %swap3A_1028 : vector<1x16xf32> to vector<16xf32>
          %swap3A_1030 = vector.shape_cast %mul3A_1025 : vector<16xf32> to vector<1x16xf32>
          tpu.vector_store %arg10[%swap3A_1026, %swap3A_1027], %swap3A_1030 {strides = array<i32>} : memref<80x128xf32, #tpu.memory_space<vmem>>, vector<1x16xf32>,
          %mul3A_1031 = arith.constant 16 : i32
          %mul3A_1032 = arith.muli %scan3A_71, %mul3A_1031 : i32
          %add3A_1033 = arith.constant 11 : i32
          %add3A_1034 = arith.addi %mul3A_1032, %add3A_1033 : i32
          %slice3A_1035 = vector.extract_strided_slice %get3A_77 {offsets = [11], sizes = [1], strides = [1]} : vector<16xf32> to vector<1xf32>
          %squeeze3A_1036 = vector.extract %slice3A_1035[0] : f32 from vector<1xf32>
          %broadcast_in_dim3A_1037 = vector.broadcast %squeeze3A_1036 : f32 to vector<16xf32>
          %get3A_1038 = arith.index_cast %add3A_1034 : i32 to index
          %get3A_1039 = arith.constant 0 : index
          %get3A_1040 = tpu.vector_load %arg10[%get3A_1038, %get3A_1039] {strides = array<i32>} : memref<80x128xf32, #tpu.memory_space<vmem>>, vector<1x16xf32>,
          %get3A_1041 = vector.shape_cast %get3A_1040 : vector<1x16xf32> to vector<16xf32>
          %mul3A_1042 = arith.mulf %get3A_1041, %broadcast_in_dim3A_1037 : vector<16xf32>
          %swap3A_1043 = arith.index_cast %add3A_1034 : i32 to index
          %swap3A_1044 = arith.constant 0 : index
          %swap3A_1045 = tpu.vector_load %arg10[%swap3A_1043, %swap3A_1044] {strides = array<i32>} : memref<80x128xf32, #tpu.memory_space<vmem>>, vector<1x16xf32>,
          %swap3A_1046 = vector.shape_cast %swap3A_1045 : vector<1x16xf32> to vector<16xf32>
          %swap3A_1047 = vector.shape_cast %mul3A_1042 : vector<16xf32> to vector<1x16xf32>
          tpu.vector_store %arg10[%swap3A_1043, %swap3A_1044], %swap3A_1047 {strides = array<i32>} : memref<80x128xf32, #tpu.memory_space<vmem>>, vector<1x16xf32>,
          %get3A_1048 = arith.index_cast %add3A_1034 : i32 to index
          %get3A_1049 = arith.constant 16 : index
          %get3A_1050 = tpu.vector_load %arg10[%get3A_1048, %get3A_1049] {strides = array<i32>} : memref<80x128xf32, #tpu.memory_space<vmem>>, vector<1x16xf32>,
          %get3A_1051 = vector.shape_cast %get3A_1050 : vector<1x16xf32> to vector<16xf32>
          %mul3A_1052 = arith.mulf %get3A_1051, %broadcast_in_dim3A_1037 : vector<16xf32>
          %swap3A_1053 = arith.index_cast %add3A_1034 : i32 to index
          %swap3A_1054 = arith.constant 16 : index
          %swap3A_1055 = tpu.vector_load %arg10[%swap3A_1053, %swap3A_1054] {strides = array<i32>} : memref<80x128xf32, #tpu.memory_space<vmem>>, vector<1x16xf32>,
          %swap3A_1056 = vector.shape_cast %swap3A_1055 : vector<1x16xf32> to vector<16xf32>
          %swap3A_1057 = vector.shape_cast %mul3A_1052 : vector<16xf32> to vector<1x16xf32>
          tpu.vector_store %arg10[%swap3A_1053, %swap3A_1054], %swap3A_1057 {strides = array<i32>} : memref<80x128xf32, #tpu.memory_space<vmem>>, vector<1x16xf32>,
          %get3A_1058 = arith.index_cast %add3A_1034 : i32 to index
          %get3A_1059 = arith.constant 32 : index
          %get3A_1060 = tpu.vector_load %arg10[%get3A_1058, %get3A_1059] {strides = array<i32>} : memref<80x128xf32, #tpu.memory_space<vmem>>, vector<1x16xf32>,
          %get3A_1061 = vector.shape_cast %get3A_1060 : vector<1x16xf32> to vector<16xf32>
          %mul3A_1062 = arith.mulf %get3A_1061, %broadcast_in_dim3A_1037 : vector<16xf32>
          %swap3A_1063 = arith.index_cast %add3A_1034 : i32 to index
          %swap3A_1064 = arith.constant 32 : index
          %swap3A_1065 = tpu.vector_load %arg10[%swap3A_1063, %swap3A_1064] {strides = array<i32>} : memref<80x128xf32, #tpu.memory_space<vmem>>, vector<1x16xf32>,
          %swap3A_1066 = vector.shape_cast %swap3A_1065 : vector<1x16xf32> to vector<16xf32>
          %swap3A_1067 = vector.shape_cast %mul3A_1062 : vector<16xf32> to vector<1x16xf32>
          tpu.vector_store %arg10[%swap3A_1063, %swap3A_1064], %swap3A_1067 {strides = array<i32>} : memref<80x128xf32, #tpu.memory_space<vmem>>, vector<1x16xf32>,
          %get3A_1068 = arith.index_cast %add3A_1034 : i32 to index
          %get3A_1069 = arith.constant 48 : index
          %get3A_1070 = tpu.vector_load %arg10[%get3A_1068, %get3A_1069] {strides = array<i32>} : memref<80x128xf32, #tpu.memory_space<vmem>>, vector<1x16xf32>,
          %get3A_1071 = vector.shape_cast %get3A_1070 : vector<1x16xf32> to vector<16xf32>
          %mul3A_1072 = arith.mulf %get3A_1071, %broadcast_in_dim3A_1037 : vector<16xf32>
          %swap3A_1073 = arith.index_cast %add3A_1034 : i32 to index
          %swap3A_1074 = arith.constant 48 : index
          %swap3A_1075 = tpu.vector_load %arg10[%swap3A_1073, %swap3A_1074] {strides = array<i32>} : memref<80x128xf32, #tpu.memory_space<vmem>>, vector<1x16xf32>,
          %swap3A_1076 = vector.shape_cast %swap3A_1075 : vector<1x16xf32> to vector<16xf32>
          %swap3A_1077 = vector.shape_cast %mul3A_1072 : vector<16xf32> to vector<1x16xf32>
          tpu.vector_store %arg10[%swap3A_1073, %swap3A_1074], %swap3A_1077 {strides = array<i32>} : memref<80x128xf32, #tpu.memory_space<vmem>>, vector<1x16xf32>,
          %get3A_1078 = arith.index_cast %add3A_1034 : i32 to index
          %get3A_1079 = arith.constant 64 : index
          %get3A_1080 = tpu.vector_load %arg10[%get3A_1078, %get3A_1079] {strides = array<i32>} : memref<80x128xf32, #tpu.memory_space<vmem>>, vector<1x16xf32>,
          %get3A_1081 = vector.shape_cast %get3A_1080 : vector<1x16xf32> to vector<16xf32>
          %mul3A_1082 = arith.mulf %get3A_1081, %broadcast_in_dim3A_1037 : vector<16xf32>
          %swap3A_1083 = arith.index_cast %add3A_1034 : i32 to index
          %swap3A_1084 = arith.constant 64 : index
          %swap3A_1085 = tpu.vector_load %arg10[%swap3A_1083, %swap3A_1084] {strides = array<i32>} : memref<80x128xf32, #tpu.memory_space<vmem>>, vector<1x16xf32>,
          %swap3A_1086 = vector.shape_cast %swap3A_1085 : vector<1x16xf32> to vector<16xf32>
          %swap3A_1087 = vector.shape_cast %mul3A_1082 : vector<16xf32> to vector<1x16xf32>
          tpu.vector_store %arg10[%swap3A_1083, %swap3A_1084], %swap3A_1087 {strides = array<i32>} : memref<80x128xf32, #tpu.memory_space<vmem>>, vector<1x16xf32>,
          %get3A_1088 = arith.index_cast %add3A_1034 : i32 to index
          %get3A_1089 = arith.constant 80 : index
          %get3A_1090 = tpu.vector_load %arg10[%get3A_1088, %get3A_1089] {strides = array<i32>} : memref<80x128xf32, #tpu.memory_space<vmem>>, vector<1x16xf32>,
          %get3A_1091 = vector.shape_cast %get3A_1090 : vector<1x16xf32> to vector<16xf32>
          %mul3A_1092 = arith.mulf %get3A_1091, %broadcast_in_dim3A_1037 : vector<16xf32>
          %swap3A_1093 = arith.index_cast %add3A_1034 : i32 to index
          %swap3A_1094 = arith.constant 80 : index
          %swap3A_1095 = tpu.vector_load %arg10[%swap3A_1093, %swap3A_1094] {strides = array<i32>} : memref<80x128xf32, #tpu.memory_space<vmem>>, vector<1x16xf32>,
          %swap3A_1096 = vector.shape_cast %swap3A_1095 : vector<1x16xf32> to vector<16xf32>
          %swap3A_1097 = vector.shape_cast %mul3A_1092 : vector<16xf32> to vector<1x16xf32>
          tpu.vector_store %arg10[%swap3A_1093, %swap3A_1094], %swap3A_1097 {strides = array<i32>} : memref<80x128xf32, #tpu.memory_space<vmem>>, vector<1x16xf32>,
          %get3A_1098 = arith.index_cast %add3A_1034 : i32 to index
          %get3A_1099 = arith.constant 96 : index
          %get3A_1100 = tpu.vector_load %arg10[%get3A_1098, %get3A_1099] {strides = array<i32>} : memref<80x128xf32, #tpu.memory_space<vmem>>, vector<1x16xf32>,
          %get3A_1101 = vector.shape_cast %get3A_1100 : vector<1x16xf32> to vector<16xf32>
          %mul3A_1102 = arith.mulf %get3A_1101, %broadcast_in_dim3A_1037 : vector<16xf32>
          %swap3A_1103 = arith.index_cast %add3A_1034 : i32 to index
          %swap3A_1104 = arith.constant 96 : index
          %swap3A_1105 = tpu.vector_load %arg10[%swap3A_1103, %swap3A_1104] {strides = array<i32>} : memref<80x128xf32, #tpu.memory_space<vmem>>, vector<1x16xf32>,
          %swap3A_1106 = vector.shape_cast %swap3A_1105 : vector<1x16xf32> to vector<16xf32>
          %swap3A_1107 = vector.shape_cast %mul3A_1102 : vector<16xf32> to vector<1x16xf32>
          tpu.vector_store %arg10[%swap3A_1103, %swap3A_1104], %swap3A_1107 {strides = array<i32>} : memref<80x128xf32, #tpu.memory_space<vmem>>, vector<1x16xf32>,
          %get3A_1108 = arith.index_cast %add3A_1034 : i32 to index
          %get3A_1109 = arith.constant 112 : index
          %get3A_1110 = tpu.vector_load %arg10[%get3A_1108, %get3A_1109] {strides = array<i32>} : memref<80x128xf32, #tpu.memory_space<vmem>>, vector<1x16xf32>,
          %get3A_1111 = vector.shape_cast %get3A_1110 : vector<1x16xf32> to vector<16xf32>
          %mul3A_1112 = arith.mulf %get3A_1111, %broadcast_in_dim3A_1037 : vector<16xf32>
          %swap3A_1113 = arith.index_cast %add3A_1034 : i32 to index
          %swap3A_1114 = arith.constant 112 : index
          %swap3A_1115 = tpu.vector_load %arg10[%swap3A_1113, %swap3A_1114] {strides = array<i32>} : memref<80x128xf32, #tpu.memory_space<vmem>>, vector<1x16xf32>,
          %swap3A_1116 = vector.shape_cast %swap3A_1115 : vector<1x16xf32> to vector<16xf32>
          %swap3A_1117 = vector.shape_cast %mul3A_1112 : vector<16xf32> to vector<1x16xf32>
          tpu.vector_store %arg10[%swap3A_1113, %swap3A_1114], %swap3A_1117 {strides = array<i32>} : memref<80x128xf32, #tpu.memory_space<vmem>>, vector<1x16xf32>,
          %mul3A_1118 = arith.constant 16 : i32
          %mul3A_1119 = arith.muli %scan3A_71, %mul3A_1118 : i32
          %add3A_1120 = arith.constant 12 : i32
          %add3A_1121 = arith.addi %mul3A_1119, %add3A_1120 : i32
          %slice3A_1122 = vector.extract_strided_slice %get3A_77 {offsets = [12], sizes = [1], strides = [1]} : vector<16xf32> to vector<1xf32>
          %squeeze3A_1123 = vector.extract %slice3A_1122[0] : f32 from vector<1xf32>
          %broadcast_in_dim3A_1124 = vector.broadcast %squeeze3A_1123 : f32 to vector<16xf32>
          %get3A_1125 = arith.index_cast %add3A_1121 : i32 to index
          %get3A_1126 = arith.constant 0 : index
          %get3A_1127 = tpu.vector_load %arg10[%get3A_1125, %get3A_1126] {strides = array<i32>} : memref<80x128xf32, #tpu.memory_space<vmem>>, vector<1x16xf32>,
          %get3A_1128 = vector.shape_cast %get3A_1127 : vector<1x16xf32> to vector<16xf32>
          %mul3A_1129 = arith.mulf %get3A_1128, %broadcast_in_dim3A_1124 : vector<16xf32>
          %swap3A_1130 = arith.index_cast %add3A_1121 : i32 to index
          %swap3A_1131 = arith.constant 0 : index
          %swap3A_1132 = tpu.vector_load %arg10[%swap3A_1130, %swap3A_1131] {strides = array<i32>} : memref<80x128xf32, #tpu.memory_space<vmem>>, vector<1x16xf32>,
          %swap3A_1133 = vector.shape_cast %swap3A_1132 : vector<1x16xf32> to vector<16xf32>
          %swap3A_1134 = vector.shape_cast %mul3A_1129 : vector<16xf32> to vector<1x16xf32>
          tpu.vector_store %arg10[%swap3A_1130, %swap3A_1131], %swap3A_1134 {strides = array<i32>} : memref<80x128xf32, #tpu.memory_space<vmem>>, vector<1x16xf32>,
          %get3A_1135 = arith.index_cast %add3A_1121 : i32 to index
          %get3A_1136 = arith.constant 16 : index
          %get3A_1137 = tpu.vector_load %arg10[%get3A_1135, %get3A_1136] {strides = array<i32>} : memref<80x128xf32, #tpu.memory_space<vmem>>, vector<1x16xf32>,
          %get3A_1138 = vector.shape_cast %get3A_1137 : vector<1x16xf32> to vector<16xf32>
          %mul3A_1139 = arith.mulf %get3A_1138, %broadcast_in_dim3A_1124 : vector<16xf32>
          %swap3A_1140 = arith.index_cast %add3A_1121 : i32 to index
          %swap3A_1141 = arith.constant 16 : index
          %swap3A_1142 = tpu.vector_load %arg10[%swap3A_1140, %swap3A_1141] {strides = array<i32>} : memref<80x128xf32, #tpu.memory_space<vmem>>, vector<1x16xf32>,
          %swap3A_1143 = vector.shape_cast %swap3A_1142 : vector<1x16xf32> to vector<16xf32>
          %swap3A_1144 = vector.shape_cast %mul3A_1139 : vector<16xf32> to vector<1x16xf32>
          tpu.vector_store %arg10[%swap3A_1140, %swap3A_1141], %swap3A_1144 {strides = array<i32>} : memref<80x128xf32, #tpu.memory_space<vmem>>, vector<1x16xf32>,
          %get3A_1145 = arith.index_cast %add3A_1121 : i32 to index
          %get3A_1146 = arith.constant 32 : index
          %get3A_1147 = tpu.vector_load %arg10[%get3A_1145, %get3A_1146] {strides = array<i32>} : memref<80x128xf32, #tpu.memory_space<vmem>>, vector<1x16xf32>,
          %get3A_1148 = vector.shape_cast %get3A_1147 : vector<1x16xf32> to vector<16xf32>
          %mul3A_1149 = arith.mulf %get3A_1148, %broadcast_in_dim3A_1124 : vector<16xf32>
          %swap3A_1150 = arith.index_cast %add3A_1121 : i32 to index
          %swap3A_1151 = arith.constant 32 : index
          %swap3A_1152 = tpu.vector_load %arg10[%swap3A_1150, %swap3A_1151] {strides = array<i32>} : memref<80x128xf32, #tpu.memory_space<vmem>>, vector<1x16xf32>,
          %swap3A_1153 = vector.shape_cast %swap3A_1152 : vector<1x16xf32> to vector<16xf32>
          %swap3A_1154 = vector.shape_cast %mul3A_1149 : vector<16xf32> to vector<1x16xf32>
          tpu.vector_store %arg10[%swap3A_1150, %swap3A_1151], %swap3A_1154 {strides = array<i32>} : memref<80x128xf32, #tpu.memory_space<vmem>>, vector<1x16xf32>,
          %get3A_1155 = arith.index_cast %add3A_1121 : i32 to index
          %get3A_1156 = arith.constant 48 : index
          %get3A_1157 = tpu.vector_load %arg10[%get3A_1155, %get3A_1156] {strides = array<i32>} : memref<80x128xf32, #tpu.memory_space<vmem>>, vector<1x16xf32>,
          %get3A_1158 = vector.shape_cast %get3A_1157 : vector<1x16xf32> to vector<16xf32>
          %mul3A_1159 = arith.mulf %get3A_1158, %broadcast_in_dim3A_1124 : vector<16xf32>
          %swap3A_1160 = arith.index_cast %add3A_1121 : i32 to index
          %swap3A_1161 = arith.constant 48 : index
          %swap3A_1162 = tpu.vector_load %arg10[%swap3A_1160, %swap3A_1161] {strides = array<i32>} : memref<80x128xf32, #tpu.memory_space<vmem>>, vector<1x16xf32>,
          %swap3A_1163 = vector.shape_cast %swap3A_1162 : vector<1x16xf32> to vector<16xf32>
          %swap3A_1164 = vector.shape_cast %mul3A_1159 : vector<16xf32> to vector<1x16xf32>
          tpu.vector_store %arg10[%swap3A_1160, %swap3A_1161], %swap3A_1164 {strides = array<i32>} : memref<80x128xf32, #tpu.memory_space<vmem>>, vector<1x16xf32>,
          %get3A_1165 = arith.index_cast %add3A_1121 : i32 to index
          %get3A_1166 = arith.constant 64 : index
          %get3A_1167 = tpu.vector_load %arg10[%get3A_1165, %get3A_1166] {strides = array<i32>} : memref<80x128xf32, #tpu.memory_space<vmem>>, vector<1x16xf32>,
          %get3A_1168 = vector.shape_cast %get3A_1167 : vector<1x16xf32> to vector<16xf32>
          %mul3A_1169 = arith.mulf %get3A_1168, %broadcast_in_dim3A_1124 : vector<16xf32>
          %swap3A_1170 = arith.index_cast %add3A_1121 : i32 to index
          %swap3A_1171 = arith.constant 64 : index
          %swap3A_1172 = tpu.vector_load %arg10[%swap3A_1170, %swap3A_1171] {strides = array<i32>} : memref<80x128xf32, #tpu.memory_space<vmem>>, vector<1x16xf32>,
          %swap3A_1173 = vector.shape_cast %swap3A_1172 : vector<1x16xf32> to vector<16xf32>
          %swap3A_1174 = vector.shape_cast %mul3A_1169 : vector<16xf32> to vector<1x16xf32>
          tpu.vector_store %arg10[%swap3A_1170, %swap3A_1171], %swap3A_1174 {strides = array<i32>} : memref<80x128xf32, #tpu.memory_space<vmem>>, vector<1x16xf32>,
          %get3A_1175 = arith.index_cast %add3A_1121 : i32 to index
          %get3A_1176 = arith.constant 80 : index
          %get3A_1177 = tpu.vector_load %arg10[%get3A_1175, %get3A_1176] {strides = array<i32>} : memref<80x128xf32, #tpu.memory_space<vmem>>, vector<1x16xf32>,
          %get3A_1178 = vector.shape_cast %get3A_1177 : vector<1x16xf32> to vector<16xf32>
          %mul3A_1179 = arith.mulf %get3A_1178, %broadcast_in_dim3A_1124 : vector<16xf32>
          %swap3A_1180 = arith.index_cast %add3A_1121 : i32 to index
          %swap3A_1181 = arith.constant 80 : index
          %swap3A_1182 = tpu.vector_load %arg10[%swap3A_1180, %swap3A_1181] {strides = array<i32>} : memref<80x128xf32, #tpu.memory_space<vmem>>, vector<1x16xf32>,
          %swap3A_1183 = vector.shape_cast %swap3A_1182 : vector<1x16xf32> to vector<16xf32>
          %swap3A_1184 = vector.shape_cast %mul3A_1179 : vector<16xf32> to vector<1x16xf32>
          tpu.vector_store %arg10[%swap3A_1180, %swap3A_1181], %swap3A_1184 {strides = array<i32>} : memref<80x128xf32, #tpu.memory_space<vmem>>, vector<1x16xf32>,
          %get3A_1185 = arith.index_cast %add3A_1121 : i32 to index
          %get3A_1186 = arith.constant 96 : index
          %get3A_1187 = tpu.vector_load %arg10[%get3A_1185, %get3A_1186] {strides = array<i32>} : memref<80x128xf32, #tpu.memory_space<vmem>>, vector<1x16xf32>,
          %get3A_1188 = vector.shape_cast %get3A_1187 : vector<1x16xf32> to vector<16xf32>
          %mul3A_1189 = arith.mulf %get3A_1188, %broadcast_in_dim3A_1124 : vector<16xf32>
          %swap3A_1190 = arith.index_cast %add3A_1121 : i32 to index
          %swap3A_1191 = arith.constant 96 : index
          %swap3A_1192 = tpu.vector_load %arg10[%swap3A_1190, %swap3A_1191] {strides = array<i32>} : memref<80x128xf32, #tpu.memory_space<vmem>>, vector<1x16xf32>,
          %swap3A_1193 = vector.shape_cast %swap3A_1192 : vector<1x16xf32> to vector<16xf32>
          %swap3A_1194 = vector.shape_cast %mul3A_1189 : vector<16xf32> to vector<1x16xf32>
          tpu.vector_store %arg10[%swap3A_1190, %swap3A_1191], %swap3A_1194 {strides = array<i32>} : memref<80x128xf32, #tpu.memory_space<vmem>>, vector<1x16xf32>,
          %get3A_1195 = arith.index_cast %add3A_1121 : i32 to index
          %get3A_1196 = arith.constant 112 : index
          %get3A_1197 = tpu.vector_load %arg10[%get3A_1195, %get3A_1196] {strides = array<i32>} : memref<80x128xf32, #tpu.memory_space<vmem>>, vector<1x16xf32>,
          %get3A_1198 = vector.shape_cast %get3A_1197 : vector<1x16xf32> to vector<16xf32>
          %mul3A_1199 = arith.mulf %get3A_1198, %broadcast_in_dim3A_1124 : vector<16xf32>
          %swap3A_1200 = arith.index_cast %add3A_1121 : i32 to index
          %swap3A_1201 = arith.constant 112 : index
          %swap3A_1202 = tpu.vector_load %arg10[%swap3A_1200, %swap3A_1201] {strides = array<i32>} : memref<80x128xf32, #tpu.memory_space<vmem>>, vector<1x16xf32>,
          %swap3A_1203 = vector.shape_cast %swap3A_1202 : vector<1x16xf32> to vector<16xf32>
          %swap3A_1204 = vector.shape_cast %mul3A_1199 : vector<16xf32> to vector<1x16xf32>
          tpu.vector_store %arg10[%swap3A_1200, %swap3A_1201], %swap3A_1204 {strides = array<i32>} : memref<80x128xf32, #tpu.memory_space<vmem>>, vector<1x16xf32>,
          %mul3A_1205 = arith.constant 16 : i32
          %mul3A_1206 = arith.muli %scan3A_71, %mul3A_1205 : i32
          %add3A_1207 = arith.constant 13 : i32
          %add3A_1208 = arith.addi %mul3A_1206, %add3A_1207 : i32
          %slice3A_1209 = vector.extract_strided_slice %get3A_77 {offsets = [13], sizes = [1], strides = [1]} : vector<16xf32> to vector<1xf32>
          %squeeze3A_1210 = vector.extract %slice3A_1209[0] : f32 from vector<1xf32>
          %broadcast_in_dim3A_1211 = vector.broadcast %squeeze3A_1210 : f32 to vector<16xf32>
          %get3A_1212 = arith.index_cast %add3A_1208 : i32 to index
          %get3A_1213 = arith.constant 0 : index
          %get3A_1214 = tpu.vector_load %arg10[%get3A_1212, %get3A_1213] {strides = array<i32>} : memref<80x128xf32, #tpu.memory_space<vmem>>, vector<1x16xf32>,
          %get3A_1215 = vector.shape_cast %get3A_1214 : vector<1x16xf32> to vector<16xf32>
          %mul3A_1216 = arith.mulf %get3A_1215, %broadcast_in_dim3A_1211 : vector<16xf32>
          %swap3A_1217 = arith.index_cast %add3A_1208 : i32 to index
          %swap3A_1218 = arith.constant 0 : index
          %swap3A_1219 = tpu.vector_load %arg10[%swap3A_1217, %swap3A_1218] {strides = array<i32>} : memref<80x128xf32, #tpu.memory_space<vmem>>, vector<1x16xf32>,
          %swap3A_1220 = vector.shape_cast %swap3A_1219 : vector<1x16xf32> to vector<16xf32>
          %swap3A_1221 = vector.shape_cast %mul3A_1216 : vector<16xf32> to vector<1x16xf32>
          tpu.vector_store %arg10[%swap3A_1217, %swap3A_1218], %swap3A_1221 {strides = array<i32>} : memref<80x128xf32, #tpu.memory_space<vmem>>, vector<1x16xf32>,
          %get3A_1222 = arith.index_cast %add3A_1208 : i32 to index
          %get3A_1223 = arith.constant 16 : index
          %get3A_1224 = tpu.vector_load %arg10[%get3A_1222, %get3A_1223] {strides = array<i32>} : memref<80x128xf32, #tpu.memory_space<vmem>>, vector<1x16xf32>,
          %get3A_1225 = vector.shape_cast %get3A_1224 : vector<1x16xf32> to vector<16xf32>
          %mul3A_1226 = arith.mulf %get3A_1225, %broadcast_in_dim3A_1211 : vector<16xf32>
          %swap3A_1227 = arith.index_cast %add3A_1208 : i32 to index
          %swap3A_1228 = arith.constant 16 : index
          %swap3A_1229 = tpu.vector_load %arg10[%swap3A_1227, %swap3A_1228] {strides = array<i32>} : memref<80x128xf32, #tpu.memory_space<vmem>>, vector<1x16xf32>,
          %swap3A_1230 = vector.shape_cast %swap3A_1229 : vector<1x16xf32> to vector<16xf32>
          %swap3A_1231 = vector.shape_cast %mul3A_1226 : vector<16xf32> to vector<1x16xf32>
          tpu.vector_store %arg10[%swap3A_1227, %swap3A_1228], %swap3A_1231 {strides = array<i32>} : memref<80x128xf32, #tpu.memory_space<vmem>>, vector<1x16xf32>,
          %get3A_1232 = arith.index_cast %add3A_1208 : i32 to index
          %get3A_1233 = arith.constant 32 : index
          %get3A_1234 = tpu.vector_load %arg10[%get3A_1232, %get3A_1233] {strides = array<i32>} : memref<80x128xf32, #tpu.memory_space<vmem>>, vector<1x16xf32>,
          %get3A_1235 = vector.shape_cast %get3A_1234 : vector<1x16xf32> to vector<16xf32>
          %mul3A_1236 = arith.mulf %get3A_1235, %broadcast_in_dim3A_1211 : vector<16xf32>
          %swap3A_1237 = arith.index_cast %add3A_1208 : i32 to index
          %swap3A_1238 = arith.constant 32 : index
          %swap3A_1239 = tpu.vector_load %arg10[%swap3A_1237, %swap3A_1238] {strides = array<i32>} : memref<80x128xf32, #tpu.memory_space<vmem>>, vector<1x16xf32>,
          %swap3A_1240 = vector.shape_cast %swap3A_1239 : vector<1x16xf32> to vector<16xf32>
          %swap3A_1241 = vector.shape_cast %mul3A_1236 : vector<16xf32> to vector<1x16xf32>
          tpu.vector_store %arg10[%swap3A_1237, %swap3A_1238], %swap3A_1241 {strides = array<i32>} : memref<80x128xf32, #tpu.memory_space<vmem>>, vector<1x16xf32>,
          %get3A_1242 = arith.index_cast %add3A_1208 : i32 to index
          %get3A_1243 = arith.constant 48 : index
          %get3A_1244 = tpu.vector_load %arg10[%get3A_1242, %get3A_1243] {strides = array<i32>} : memref<80x128xf32, #tpu.memory_space<vmem>>, vector<1x16xf32>,
          %get3A_1245 = vector.shape_cast %get3A_1244 : vector<1x16xf32> to vector<16xf32>
          %mul3A_1246 = arith.mulf %get3A_1245, %broadcast_in_dim3A_1211 : vector<16xf32>
          %swap3A_1247 = arith.index_cast %add3A_1208 : i32 to index
          %swap3A_1248 = arith.constant 48 : index
          %swap3A_1249 = tpu.vector_load %arg10[%swap3A_1247, %swap3A_1248] {strides = array<i32>} : memref<80x128xf32, #tpu.memory_space<vmem>>, vector<1x16xf32>,
          %swap3A_1250 = vector.shape_cast %swap3A_1249 : vector<1x16xf32> to vector<16xf32>
          %swap3A_1251 = vector.shape_cast %mul3A_1246 : vector<16xf32> to vector<1x16xf32>
          tpu.vector_store %arg10[%swap3A_1247, %swap3A_1248], %swap3A_1251 {strides = array<i32>} : memref<80x128xf32, #tpu.memory_space<vmem>>, vector<1x16xf32>,
          %get3A_1252 = arith.index_cast %add3A_1208 : i32 to index
          %get3A_1253 = arith.constant 64 : index
          %get3A_1254 = tpu.vector_load %arg10[%get3A_1252, %get3A_1253] {strides = array<i32>} : memref<80x128xf32, #tpu.memory_space<vmem>>, vector<1x16xf32>,
          %get3A_1255 = vector.shape_cast %get3A_1254 : vector<1x16xf32> to vector<16xf32>
          %mul3A_1256 = arith.mulf %get3A_1255, %broadcast_in_dim3A_1211 : vector<16xf32>
          %swap3A_1257 = arith.index_cast %add3A_1208 : i32 to index
          %swap3A_1258 = arith.constant 64 : index
          %swap3A_1259 = tpu.vector_load %arg10[%swap3A_1257, %swap3A_1258] {strides = array<i32>} : memref<80x128xf32, #tpu.memory_space<vmem>>, vector<1x16xf32>,
          %swap3A_1260 = vector.shape_cast %swap3A_1259 : vector<1x16xf32> to vector<16xf32>
          %swap3A_1261 = vector.shape_cast %mul3A_1256 : vector<16xf32> to vector<1x16xf32>
          tpu.vector_store %arg10[%swap3A_1257, %swap3A_1258], %swap3A_1261 {strides = array<i32>} : memref<80x128xf32, #tpu.memory_space<vmem>>, vector<1x16xf32>,
          %get3A_1262 = arith.index_cast %add3A_1208 : i32 to index
          %get3A_1263 = arith.constant 80 : index
          %get3A_1264 = tpu.vector_load %arg10[%get3A_1262, %get3A_1263] {strides = array<i32>} : memref<80x128xf32, #tpu.memory_space<vmem>>, vector<1x16xf32>,
          %get3A_1265 = vector.shape_cast %get3A_1264 : vector<1x16xf32> to vector<16xf32>
          %mul3A_1266 = arith.mulf %get3A_1265, %broadcast_in_dim3A_1211 : vector<16xf32>
          %swap3A_1267 = arith.index_cast %add3A_1208 : i32 to index
          %swap3A_1268 = arith.constant 80 : index
          %swap3A_1269 = tpu.vector_load %arg10[%swap3A_1267, %swap3A_1268] {strides = array<i32>} : memref<80x128xf32, #tpu.memory_space<vmem>>, vector<1x16xf32>,
          %swap3A_1270 = vector.shape_cast %swap3A_1269 : vector<1x16xf32> to vector<16xf32>
          %swap3A_1271 = vector.shape_cast %mul3A_1266 : vector<16xf32> to vector<1x16xf32>
          tpu.vector_store %arg10[%swap3A_1267, %swap3A_1268], %swap3A_1271 {strides = array<i32>} : memref<80x128xf32, #tpu.memory_space<vmem>>, vector<1x16xf32>,
          %get3A_1272 = arith.index_cast %add3A_1208 : i32 to index
          %get3A_1273 = arith.constant 96 : index
          %get3A_1274 = tpu.vector_load %arg10[%get3A_1272, %get3A_1273] {strides = array<i32>} : memref<80x128xf32, #tpu.memory_space<vmem>>, vector<1x16xf32>,
          %get3A_1275 = vector.shape_cast %get3A_1274 : vector<1x16xf32> to vector<16xf32>
          %mul3A_1276 = arith.mulf %get3A_1275, %broadcast_in_dim3A_1211 : vector<16xf32>
          %swap3A_1277 = arith.index_cast %add3A_1208 : i32 to index
          %swap3A_1278 = arith.constant 96 : index
          %swap3A_1279 = tpu.vector_load %arg10[%swap3A_1277, %swap3A_1278] {strides = array<i32>} : memref<80x128xf32, #tpu.memory_space<vmem>>, vector<1x16xf32>,
          %swap3A_1280 = vector.shape_cast %swap3A_1279 : vector<1x16xf32> to vector<16xf32>
          %swap3A_1281 = vector.shape_cast %mul3A_1276 : vector<16xf32> to vector<1x16xf32>
          tpu.vector_store %arg10[%swap3A_1277, %swap3A_1278], %swap3A_1281 {strides = array<i32>} : memref<80x128xf32, #tpu.memory_space<vmem>>, vector<1x16xf32>,
          %get3A_1282 = arith.index_cast %add3A_1208 : i32 to index
          %get3A_1283 = arith.constant 112 : index
          %get3A_1284 = tpu.vector_load %arg10[%get3A_1282, %get3A_1283] {strides = array<i32>} : memref<80x128xf32, #tpu.memory_space<vmem>>, vector<1x16xf32>,
          %get3A_1285 = vector.shape_cast %get3A_1284 : vector<1x16xf32> to vector<16xf32>
          %mul3A_1286 = arith.mulf %get3A_1285, %broadcast_in_dim3A_1211 : vector<16xf32>
          %swap3A_1287 = arith.index_cast %add3A_1208 : i32 to index
          %swap3A_1288 = arith.constant 112 : index
          %swap3A_1289 = tpu.vector_load %arg10[%swap3A_1287, %swap3A_1288] {strides = array<i32>} : memref<80x128xf32, #tpu.memory_space<vmem>>, vector<1x16xf32>,
          %swap3A_1290 = vector.shape_cast %swap3A_1289 : vector<1x16xf32> to vector<16xf32>
          %swap3A_1291 = vector.shape_cast %mul3A_1286 : vector<16xf32> to vector<1x16xf32>
          tpu.vector_store %arg10[%swap3A_1287, %swap3A_1288], %swap3A_1291 {strides = array<i32>} : memref<80x128xf32, #tpu.memory_space<vmem>>, vector<1x16xf32>,
          %mul3A_1292 = arith.constant 16 : i32
          %mul3A_1293 = arith.muli %scan3A_71, %mul3A_1292 : i32
          %add3A_1294 = arith.constant 14 : i32
          %add3A_1295 = arith.addi %mul3A_1293, %add3A_1294 : i32
          %slice3A_1296 = vector.extract_strided_slice %get3A_77 {offsets = [14], sizes = [1], strides = [1]} : vector<16xf32> to vector<1xf32>
          %squeeze3A_1297 = vector.extract %slice3A_1296[0] : f32 from vector<1xf32>
          %broadcast_in_dim3A_1298 = vector.broadcast %squeeze3A_1297 : f32 to vector<16xf32>
          %get3A_1299 = arith.index_cast %add3A_1295 : i32 to index
          %get3A_1300 = arith.constant 0 : index
          %get3A_1301 = tpu.vector_load %arg10[%get3A_1299, %get3A_1300] {strides = array<i32>} : memref<80x128xf32, #tpu.memory_space<vmem>>, vector<1x16xf32>,
          %get3A_1302 = vector.shape_cast %get3A_1301 : vector<1x16xf32> to vector<16xf32>
          %mul3A_1303 = arith.mulf %get3A_1302, %broadcast_in_dim3A_1298 : vector<16xf32>
          %swap3A_1304 = arith.index_cast %add3A_1295 : i32 to index
          %swap3A_1305 = arith.constant 0 : index
          %swap3A_1306 = tpu.vector_load %arg10[%swap3A_1304, %swap3A_1305] {strides = array<i32>} : memref<80x128xf32, #tpu.memory_space<vmem>>, vector<1x16xf32>,
          %swap3A_1307 = vector.shape_cast %swap3A_1306 : vector<1x16xf32> to vector<16xf32>
          %swap3A_1308 = vector.shape_cast %mul3A_1303 : vector<16xf32> to vector<1x16xf32>
          tpu.vector_store %arg10[%swap3A_1304, %swap3A_1305], %swap3A_1308 {strides = array<i32>} : memref<80x128xf32, #tpu.memory_space<vmem>>, vector<1x16xf32>,
          %get3A_1309 = arith.index_cast %add3A_1295 : i32 to index
          %get3A_1310 = arith.constant 16 : index
          %get3A_1311 = tpu.vector_load %arg10[%get3A_1309, %get3A_1310] {strides = array<i32>} : memref<80x128xf32, #tpu.memory_space<vmem>>, vector<1x16xf32>,
          %get3A_1312 = vector.shape_cast %get3A_1311 : vector<1x16xf32> to vector<16xf32>
          %mul3A_1313 = arith.mulf %get3A_1312, %broadcast_in_dim3A_1298 : vector<16xf32>
          %swap3A_1314 = arith.index_cast %add3A_1295 : i32 to index
          %swap3A_1315 = arith.constant 16 : index
          %swap3A_1316 = tpu.vector_load %arg10[%swap3A_1314, %swap3A_1315] {strides = array<i32>} : memref<80x128xf32, #tpu.memory_space<vmem>>, vector<1x16xf32>,
          %swap3A_1317 = vector.shape_cast %swap3A_1316 : vector<1x16xf32> to vector<16xf32>
          %swap3A_1318 = vector.shape_cast %mul3A_1313 : vector<16xf32> to vector<1x16xf32>
          tpu.vector_store %arg10[%swap3A_1314, %swap3A_1315], %swap3A_1318 {strides = array<i32>} : memref<80x128xf32, #tpu.memory_space<vmem>>, vector<1x16xf32>,
          %get3A_1319 = arith.index_cast %add3A_1295 : i32 to index
          %get3A_1320 = arith.constant 32 : index
          %get3A_1321 = tpu.vector_load %arg10[%get3A_1319, %get3A_1320] {strides = array<i32>} : memref<80x128xf32, #tpu.memory_space<vmem>>, vector<1x16xf32>,
          %get3A_1322 = vector.shape_cast %get3A_1321 : vector<1x16xf32> to vector<16xf32>
          %mul3A_1323 = arith.mulf %get3A_1322, %broadcast_in_dim3A_1298 : vector<16xf32>
          %swap3A_1324 = arith.index_cast %add3A_1295 : i32 to index
          %swap3A_1325 = arith.constant 32 : index
          %swap3A_1326 = tpu.vector_load %arg10[%swap3A_1324, %swap3A_1325] {strides = array<i32>} : memref<80x128xf32, #tpu.memory_space<vmem>>, vector<1x16xf32>,
          %swap3A_1327 = vector.shape_cast %swap3A_1326 : vector<1x16xf32> to vector<16xf32>
          %swap3A_1328 = vector.shape_cast %mul3A_1323 : vector<16xf32> to vector<1x16xf32>
          tpu.vector_store %arg10[%swap3A_1324, %swap3A_1325], %swap3A_1328 {strides = array<i32>} : memref<80x128xf32, #tpu.memory_space<vmem>>, vector<1x16xf32>,
          %get3A_1329 = arith.index_cast %add3A_1295 : i32 to index
          %get3A_1330 = arith.constant 48 : index
          %get3A_1331 = tpu.vector_load %arg10[%get3A_1329, %get3A_1330] {strides = array<i32>} : memref<80x128xf32, #tpu.memory_space<vmem>>, vector<1x16xf32>,
          %get3A_1332 = vector.shape_cast %get3A_1331 : vector<1x16xf32> to vector<16xf32>
          %mul3A_1333 = arith.mulf %get3A_1332, %broadcast_in_dim3A_1298 : vector<16xf32>
          %swap3A_1334 = arith.index_cast %add3A_1295 : i32 to index
          %swap3A_1335 = arith.constant 48 : index
          %swap3A_1336 = tpu.vector_load %arg10[%swap3A_1334, %swap3A_1335] {strides = array<i32>} : memref<80x128xf32, #tpu.memory_space<vmem>>, vector<1x16xf32>,
          %swap3A_1337 = vector.shape_cast %swap3A_1336 : vector<1x16xf32> to vector<16xf32>
          %swap3A_1338 = vector.shape_cast %mul3A_1333 : vector<16xf32> to vector<1x16xf32>
          tpu.vector_store %arg10[%swap3A_1334, %swap3A_1335], %swap3A_1338 {strides = array<i32>} : memref<80x128xf32, #tpu.memory_space<vmem>>, vector<1x16xf32>,
          %get3A_1339 = arith.index_cast %add3A_1295 : i32 to index
          %get3A_1340 = arith.constant 64 : index
          %get3A_1341 = tpu.vector_load %arg10[%get3A_1339, %get3A_1340] {strides = array<i32>} : memref<80x128xf32, #tpu.memory_space<vmem>>, vector<1x16xf32>,
          %get3A_1342 = vector.shape_cast %get3A_1341 : vector<1x16xf32> to vector<16xf32>
          %mul3A_1343 = arith.mulf %get3A_1342, %broadcast_in_dim3A_1298 : vector<16xf32>
          %swap3A_1344 = arith.index_cast %add3A_1295 : i32 to index
          %swap3A_1345 = arith.constant 64 : index
          %swap3A_1346 = tpu.vector_load %arg10[%swap3A_1344, %swap3A_1345] {strides = array<i32>} : memref<80x128xf32, #tpu.memory_space<vmem>>, vector<1x16xf32>,
          %swap3A_1347 = vector.shape_cast %swap3A_1346 : vector<1x16xf32> to vector<16xf32>
          %swap3A_1348 = vector.shape_cast %mul3A_1343 : vector<16xf32> to vector<1x16xf32>
          tpu.vector_store %arg10[%swap3A_1344, %swap3A_1345], %swap3A_1348 {strides = array<i32>} : memref<80x128xf32, #tpu.memory_space<vmem>>, vector<1x16xf32>,
          %get3A_1349 = arith.index_cast %add3A_1295 : i32 to index
          %get3A_1350 = arith.constant 80 : index
          %get3A_1351 = tpu.vector_load %arg10[%get3A_1349, %get3A_1350] {strides = array<i32>} : memref<80x128xf32, #tpu.memory_space<vmem>>, vector<1x16xf32>,
          %get3A_1352 = vector.shape_cast %get3A_1351 : vector<1x16xf32> to vector<16xf32>
          %mul3A_1353 = arith.mulf %get3A_1352, %broadcast_in_dim3A_1298 : vector<16xf32>
          %swap3A_1354 = arith.index_cast %add3A_1295 : i32 to index
          %swap3A_1355 = arith.constant 80 : index
          %swap3A_1356 = tpu.vector_load %arg10[%swap3A_1354, %swap3A_1355] {strides = array<i32>} : memref<80x128xf32, #tpu.memory_space<vmem>>, vector<1x16xf32>,
          %swap3A_1357 = vector.shape_cast %swap3A_1356 : vector<1x16xf32> to vector<16xf32>
          %swap3A_1358 = vector.shape_cast %mul3A_1353 : vector<16xf32> to vector<1x16xf32>
          tpu.vector_store %arg10[%swap3A_1354, %swap3A_1355], %swap3A_1358 {strides = array<i32>} : memref<80x128xf32, #tpu.memory_space<vmem>>, vector<1x16xf32>,
          %get3A_1359 = arith.index_cast %add3A_1295 : i32 to index
          %get3A_1360 = arith.constant 96 : index
          %get3A_1361 = tpu.vector_load %arg10[%get3A_1359, %get3A_1360] {strides = array<i32>} : memref<80x128xf32, #tpu.memory_space<vmem>>, vector<1x16xf32>,
          %get3A_1362 = vector.shape_cast %get3A_1361 : vector<1x16xf32> to vector<16xf32>
          %mul3A_1363 = arith.mulf %get3A_1362, %broadcast_in_dim3A_1298 : vector<16xf32>
          %swap3A_1364 = arith.index_cast %add3A_1295 : i32 to index
          %swap3A_1365 = arith.constant 96 : index
          %swap3A_1366 = tpu.vector_load %arg10[%swap3A_1364, %swap3A_1365] {strides = array<i32>} : memref<80x128xf32, #tpu.memory_space<vmem>>, vector<1x16xf32>,
          %swap3A_1367 = vector.shape_cast %swap3A_1366 : vector<1x16xf32> to vector<16xf32>
          %swap3A_1368 = vector.shape_cast %mul3A_1363 : vector<16xf32> to vector<1x16xf32>
          tpu.vector_store %arg10[%swap3A_1364, %swap3A_1365], %swap3A_1368 {strides = array<i32>} : memref<80x128xf32, #tpu.memory_space<vmem>>, vector<1x16xf32>,
          %get3A_1369 = arith.index_cast %add3A_1295 : i32 to index
          %get3A_1370 = arith.constant 112 : index
          %get3A_1371 = tpu.vector_load %arg10[%get3A_1369, %get3A_1370] {strides = array<i32>} : memref<80x128xf32, #tpu.memory_space<vmem>>, vector<1x16xf32>,
          %get3A_1372 = vector.shape_cast %get3A_1371 : vector<1x16xf32> to vector<16xf32>
          %mul3A_1373 = arith.mulf %get3A_1372, %broadcast_in_dim3A_1298 : vector<16xf32>
          %swap3A_1374 = arith.index_cast %add3A_1295 : i32 to index
          %swap3A_1375 = arith.constant 112 : index
          %swap3A_1376 = tpu.vector_load %arg10[%swap3A_1374, %swap3A_1375] {strides = array<i32>} : memref<80x128xf32, #tpu.memory_space<vmem>>, vector<1x16xf32>,
          %swap3A_1377 = vector.shape_cast %swap3A_1376 : vector<1x16xf32> to vector<16xf32>
          %swap3A_1378 = vector.shape_cast %mul3A_1373 : vector<16xf32> to vector<1x16xf32>
          tpu.vector_store %arg10[%swap3A_1374, %swap3A_1375], %swap3A_1378 {strides = array<i32>} : memref<80x128xf32, #tpu.memory_space<vmem>>, vector<1x16xf32>,
          %mul3A_1379 = arith.constant 16 : i32
          %mul3A_1380 = arith.muli %scan3A_71, %mul3A_1379 : i32
          %add3A_1381 = arith.constant 15 : i32
          %add3A_1382 = arith.addi %mul3A_1380, %add3A_1381 : i32
          %slice3A_1383 = vector.extract_strided_slice %get3A_77 {offsets = [15], sizes = [1], strides = [1]} : vector<16xf32> to vector<1xf32>
          %squeeze3A_1384 = vector.extract %slice3A_1383[0] : f32 from vector<1xf32>
          %broadcast_in_dim3A_1385 = vector.broadcast %squeeze3A_1384 : f32 to vector<16xf32>
          %get3A_1386 = arith.index_cast %add3A_1382 : i32 to index
          %get3A_1387 = arith.constant 0 : index
          %get3A_1388 = tpu.vector_load %arg10[%get3A_1386, %get3A_1387] {strides = array<i32>} : memref<80x128xf32, #tpu.memory_space<vmem>>, vector<1x16xf32>,
          %get3A_1389 = vector.shape_cast %get3A_1388 : vector<1x16xf32> to vector<16xf32>
          %mul3A_1390 = arith.mulf %get3A_1389, %broadcast_in_dim3A_1385 : vector<16xf32>
          %swap3A_1391 = arith.index_cast %add3A_1382 : i32 to index
          %swap3A_1392 = arith.constant 0 : index
          %swap3A_1393 = tpu.vector_load %arg10[%swap3A_1391, %swap3A_1392] {strides = array<i32>} : memref<80x128xf32, #tpu.memory_space<vmem>>, vector<1x16xf32>,
          %swap3A_1394 = vector.shape_cast %swap3A_1393 : vector<1x16xf32> to vector<16xf32>
          %swap3A_1395 = vector.shape_cast %mul3A_1390 : vector<16xf32> to vector<1x16xf32>
          tpu.vector_store %arg10[%swap3A_1391, %swap3A_1392], %swap3A_1395 {strides = array<i32>} : memref<80x128xf32, #tpu.memory_space<vmem>>, vector<1x16xf32>,
          %get3A_1396 = arith.index_cast %add3A_1382 : i32 to index
          %get3A_1397 = arith.constant 16 : index
          %get3A_1398 = tpu.vector_load %arg10[%get3A_1396, %get3A_1397] {strides = array<i32>} : memref<80x128xf32, #tpu.memory_space<vmem>>, vector<1x16xf32>,
          %get3A_1399 = vector.shape_cast %get3A_1398 : vector<1x16xf32> to vector<16xf32>
          %mul3A_1400 = arith.mulf %get3A_1399, %broadcast_in_dim3A_1385 : vector<16xf32>
          %swap3A_1401 = arith.index_cast %add3A_1382 : i32 to index
          %swap3A_1402 = arith.constant 16 : index
          %swap3A_1403 = tpu.vector_load %arg10[%swap3A_1401, %swap3A_1402] {strides = array<i32>} : memref<80x128xf32, #tpu.memory_space<vmem>>, vector<1x16xf32>,
          %swap3A_1404 = vector.shape_cast %swap3A_1403 : vector<1x16xf32> to vector<16xf32>
          %swap3A_1405 = vector.shape_cast %mul3A_1400 : vector<16xf32> to vector<1x16xf32>
          tpu.vector_store %arg10[%swap3A_1401, %swap3A_1402], %swap3A_1405 {strides = array<i32>} : memref<80x128xf32, #tpu.memory_space<vmem>>, vector<1x16xf32>,
          %get3A_1406 = arith.index_cast %add3A_1382 : i32 to index
          %get3A_1407 = arith.constant 32 : index
          %get3A_1408 = tpu.vector_load %arg10[%get3A_1406, %get3A_1407] {strides = array<i32>} : memref<80x128xf32, #tpu.memory_space<vmem>>, vector<1x16xf32>,
          %get3A_1409 = vector.shape_cast %get3A_1408 : vector<1x16xf32> to vector<16xf32>
          %mul3A_1410 = arith.mulf %get3A_1409, %broadcast_in_dim3A_1385 : vector<16xf32>
          %swap3A_1411 = arith.index_cast %add3A_1382 : i32 to index
          %swap3A_1412 = arith.constant 32 : index
          %swap3A_1413 = tpu.vector_load %arg10[%swap3A_1411, %swap3A_1412] {strides = array<i32>} : memref<80x128xf32, #tpu.memory_space<vmem>>, vector<1x16xf32>,
          %swap3A_1414 = vector.shape_cast %swap3A_1413 : vector<1x16xf32> to vector<16xf32>
          %swap3A_1415 = vector.shape_cast %mul3A_1410 : vector<16xf32> to vector<1x16xf32>
          tpu.vector_store %arg10[%swap3A_1411, %swap3A_1412], %swap3A_1415 {strides = array<i32>} : memref<80x128xf32, #tpu.memory_space<vmem>>, vector<1x16xf32>,
          %get3A_1416 = arith.index_cast %add3A_1382 : i32 to index
          %get3A_1417 = arith.constant 48 : index
          %get3A_1418 = tpu.vector_load %arg10[%get3A_1416, %get3A_1417] {strides = array<i32>} : memref<80x128xf32, #tpu.memory_space<vmem>>, vector<1x16xf32>,
          %get3A_1419 = vector.shape_cast %get3A_1418 : vector<1x16xf32> to vector<16xf32>
          %mul3A_1420 = arith.mulf %get3A_1419, %broadcast_in_dim3A_1385 : vector<16xf32>
          %swap3A_1421 = arith.index_cast %add3A_1382 : i32 to index
          %swap3A_1422 = arith.constant 48 : index
          %swap3A_1423 = tpu.vector_load %arg10[%swap3A_1421, %swap3A_1422] {strides = array<i32>} : memref<80x128xf32, #tpu.memory_space<vmem>>, vector<1x16xf32>,
          %swap3A_1424 = vector.shape_cast %swap3A_1423 : vector<1x16xf32> to vector<16xf32>
          %swap3A_1425 = vector.shape_cast %mul3A_1420 : vector<16xf32> to vector<1x16xf32>
          tpu.vector_store %arg10[%swap3A_1421, %swap3A_1422], %swap3A_1425 {strides = array<i32>} : memref<80x128xf32, #tpu.memory_space<vmem>>, vector<1x16xf32>,
          %get3A_1426 = arith.index_cast %add3A_1382 : i32 to index
          %get3A_1427 = arith.constant 64 : index
          %get3A_1428 = tpu.vector_load %arg10[%get3A_1426, %get3A_1427] {strides = array<i32>} : memref<80x128xf32, #tpu.memory_space<vmem>>, vector<1x16xf32>,
          %get3A_1429 = vector.shape_cast %get3A_1428 : vector<1x16xf32> to vector<16xf32>
          %mul3A_1430 = arith.mulf %get3A_1429, %broadcast_in_dim3A_1385 : vector<16xf32>
          %swap3A_1431 = arith.index_cast %add3A_1382 : i32 to index
          %swap3A_1432 = arith.constant 64 : index
          %swap3A_1433 = tpu.vector_load %arg10[%swap3A_1431, %swap3A_1432] {strides = array<i32>} : memref<80x128xf32, #tpu.memory_space<vmem>>, vector<1x16xf32>,
          %swap3A_1434 = vector.shape_cast %swap3A_1433 : vector<1x16xf32> to vector<16xf32>
          %swap3A_1435 = vector.shape_cast %mul3A_1430 : vector<16xf32> to vector<1x16xf32>
          tpu.vector_store %arg10[%swap3A_1431, %swap3A_1432], %swap3A_1435 {strides = array<i32>} : memref<80x128xf32, #tpu.memory_space<vmem>>, vector<1x16xf32>,
          %get3A_1436 = arith.index_cast %add3A_1382 : i32 to index
          %get3A_1437 = arith.constant 80 : index
          %get3A_1438 = tpu.vector_load %arg10[%get3A_1436, %get3A_1437] {strides = array<i32>} : memref<80x128xf32, #tpu.memory_space<vmem>>, vector<1x16xf32>,
          %get3A_1439 = vector.shape_cast %get3A_1438 : vector<1x16xf32> to vector<16xf32>
          %mul3A_1440 = arith.mulf %get3A_1439, %broadcast_in_dim3A_1385 : vector<16xf32>
          %swap3A_1441 = arith.index_cast %add3A_1382 : i32 to index
          %swap3A_1442 = arith.constant 80 : index
          %swap3A_1443 = tpu.vector_load %arg10[%swap3A_1441, %swap3A_1442] {strides = array<i32>} : memref<80x128xf32, #tpu.memory_space<vmem>>, vector<1x16xf32>,
          %swap3A_1444 = vector.shape_cast %swap3A_1443 : vector<1x16xf32> to vector<16xf32>
          %swap3A_1445 = vector.shape_cast %mul3A_1440 : vector<16xf32> to vector<1x16xf32>
          tpu.vector_store %arg10[%swap3A_1441, %swap3A_1442], %swap3A_1445 {strides = array<i32>} : memref<80x128xf32, #tpu.memory_space<vmem>>, vector<1x16xf32>,
          %get3A_1446 = arith.index_cast %add3A_1382 : i32 to index
          %get3A_1447 = arith.constant 96 : index
          %get3A_1448 = tpu.vector_load %arg10[%get3A_1446, %get3A_1447] {strides = array<i32>} : memref<80x128xf32, #tpu.memory_space<vmem>>, vector<1x16xf32>,
          %get3A_1449 = vector.shape_cast %get3A_1448 : vector<1x16xf32> to vector<16xf32>
          %mul3A_1450 = arith.mulf %get3A_1449, %broadcast_in_dim3A_1385 : vector<16xf32>
          %swap3A_1451 = arith.index_cast %add3A_1382 : i32 to index
          %swap3A_1452 = arith.constant 96 : index
          %swap3A_1453 = tpu.vector_load %arg10[%swap3A_1451, %swap3A_1452] {strides = array<i32>} : memref<80x128xf32, #tpu.memory_space<vmem>>, vector<1x16xf32>,
          %swap3A_1454 = vector.shape_cast %swap3A_1453 : vector<1x16xf32> to vector<16xf32>
          %swap3A_1455 = vector.shape_cast %mul3A_1450 : vector<16xf32> to vector<1x16xf32>
          tpu.vector_store %arg10[%swap3A_1451, %swap3A_1452], %swap3A_1455 {strides = array<i32>} : memref<80x128xf32, #tpu.memory_space<vmem>>, vector<1x16xf32>,
          %get3A_1456 = arith.index_cast %add3A_1382 : i32 to index
          %get3A_1457 = arith.constant 112 : index
          %get3A_1458 = tpu.vector_load %arg10[%get3A_1456, %get3A_1457] {strides = array<i32>} : memref<80x128xf32, #tpu.memory_space<vmem>>, vector<1x16xf32>,
          %get3A_1459 = vector.shape_cast %get3A_1458 : vector<1x16xf32> to vector<16xf32>
          %mul3A_1460 = arith.mulf %get3A_1459, %broadcast_in_dim3A_1385 : vector<16xf32>
          %swap3A_1461 = arith.index_cast %add3A_1382 : i32 to index
          %swap3A_1462 = arith.constant 112 : index
          %swap3A_1463 = tpu.vector_load %arg10[%swap3A_1461, %swap3A_1462] {strides = array<i32>} : memref<80x128xf32, #tpu.memory_space<vmem>>, vector<1x16xf32>,
          %swap3A_1464 = vector.shape_cast %swap3A_1463 : vector<1x16xf32> to vector<16xf32>
          %swap3A_1465 = vector.shape_cast %mul3A_1460 : vector<16xf32> to vector<1x16xf32>
          tpu.vector_store %arg10[%swap3A_1461, %swap3A_1462], %swap3A_1465 {strides = array<i32>} : memref<80x128xf32, #tpu.memory_space<vmem>>, vector<1x16xf32>,
          %scan3A_1466 = arith.constant 0 : i32
          scf.yield %scan3A_1466 : i32
        }
        %scan3A_69 = arith.constant 5 : i32
        "tpu.region"() ({
          %run_scoped3A = tpu.sem_alloc : memref<!tpu.dma_semaphore, #tpu.memory_space<semaphore_mem>>
          %dma_start3A_71 = arith.constant 0 : i32
          %dma_start3A_72 = tpu.memref_slice %arg8[%scan3A_51, %dma_start3A_71] : memref<25x80xi32, #tpu.memory_space<vmem>> -> memref<1x80xi32, #tpu.memory_space<vmem>>
          %dma_start3A_73 = tpu.memref_squeeze %dma_start3A_72 : memref<1x80xi32, #tpu.memory_space<vmem>> -> memref<80xi32, #tpu.memory_space<vmem>>
          %dma_start3A_74 = arith.constant 0 : i32
          %dma_start3A_75 = arith.constant 0 : i32
          %dma_start3A_76 = tpu.memref_slice %arg11[%dma_start3A_74, %dma_start3A_75] : memref<10000x128xf32, #tpu.memory_space<vmem_shared>> -> memref<10000x128xf32, #tpu.memory_space<vmem_shared>>
          tpu.enqueue_indirect_dma source(%arg10 : memref<80x128xf32, #tpu.memory_space<vmem>>) target(%dma_start3A_76 : memref<10000x128xf32, #tpu.memory_space<vmem_shared>>) offsets(%dma_start3A_73 : memref<80xi32, #tpu.memory_space<vmem>>) semaphore(%run_scoped3A : memref<!tpu.dma_semaphore, #tpu.memory_space<semaphore_mem>>) {add = true}
          %dma_wait3A_77 = arith.constant 0 : i32
          %dma_wait3A_78 = tpu.memref_slice %arg8[%scan3A_51, %dma_wait3A_77] : memref<25x80xi32, #tpu.memory_space<vmem>> -> memref<1x80xi32, #tpu.memory_space<vmem>>
          %dma_wait3A_79 = tpu.memref_squeeze %dma_wait3A_78 : memref<1x80xi32, #tpu.memory_space<vmem>> -> memref<80xi32, #tpu.memory_space<vmem>>
          %dma_wait3A_80 = arith.constant 0 : i32
          %dma_wait3A_81 = arith.constant 0 : i32
          %dma_wait3A_82 = tpu.memref_slice %arg11[%dma_wait3A_80, %dma_wait3A_81] : memref<10000x128xf32, #tpu.memory_space<vmem_shared>> -> memref<10000x128xf32, #tpu.memory_space<vmem_shared>>
          tpu.wait_indirect_dma semaphore(%run_scoped3A : memref<!tpu.dma_semaphore, #tpu.memory_space<semaphore_mem>>) src(%arg10 : memref<80x128xf32, #tpu.memory_space<vmem>>) dst(%dma_wait3A_82 : memref<10000x128xf32, #tpu.memory_space<vmem_shared>>)
          tpu.yield
        }) : () -> ()
        %scan3A_70 = arith.constant 0 : i32
        scf.yield %scan3A_70 : i32
      }
      %scan3A_49 = arith.constant 25 : i32
      %scan3A_50 = arith.constant 0 : i32
      scf.yield %scan3A_50 : i32
    }
    %scan3A_27 = arith.constant 5 : i32
    %barrier3A_28 = arith.constant 0 : index
    tpu.barrier barrier_id(%barrier3A_28)
    %while3A_29 = arith.constant 0 : i32
    %while3A_30 = arith.constant 0 : i32
    %while3A_31 = arith.subi %select_n3A, %while3A_29 : i32
    %while3A_32 = arith.addi %while3A_29, %while3A_31 : i32
    %while3A_33 = arith.constant 1 : i32
    %while3A_34 = arith.divsi %while3A_31, %while3A_33 : i32
    %while3A_35 = arith.muli %while3A_34, %while3A_33 : i32
    %while3A_36 = arith.addi %while3A_29, %while3A_35 : i32
    %while3A_37 = arith.constant 1 : i32
    %while3A_38 = scf.for %while3A_41 = %while3A_29 to %while3A_36 step %while3A_37 iter_args(%while3A_42 = %while3A_30) -> (i32)  : i32 {
      %mul3A_43 = arith.constant 80 : i32
      %mul3A_44 = arith.muli %while3A_41, %mul3A_43 : i32
      %add3A = arith.addi %mul3A_7, %mul3A_44 : i32
      %multiple_of3A = tpu.assume_multiple %add3A, 8 : i32
      %mul3A_45 = arith.constant 128 : i32
      %mul3A_46 = arith.muli %arg0, %mul3A_45 : i32
      %multiple_of3A_47 = tpu.assume_multiple %mul3A_46, 128 : i32
      "tpu.region"() ({
        %run_scoped3A = tpu.sem_alloc : memref<!tpu.dma_semaphore, #tpu.memory_space<semaphore_mem>>
        %dma_start3A = tpu.memref_slice %arg6[%multiple_of3A, %multiple_of3A_47] : memref<10000x256xf32, #tpu.memory_space<hbm>> -> memref<80x128xf32, #tpu.memory_space<hbm>>
        %dma_start3A_49 = arith.constant 0 : i32
        %dma_start3A_50 = tpu.memref_slice %arg11[%multiple_of3A, %dma_start3A_49] : memref<10000x128xf32, #tpu.memory_space<vmem_shared>> -> memref<80x128xf32, #tpu.memory_space<vmem_shared>>
        tpu.enqueue_dma source(%dma_start3A_50 : memref<80x128xf32, #tpu.memory_space<vmem_shared>>) target(%dma_start3A : memref<80x128xf32, #tpu.memory_space<hbm>>) target_semaphore(%run_scoped3A : memref<!tpu.dma_semaphore, #tpu.memory_space<semaphore_mem>>)
        %dma_wait3A = tpu.memref_slice %arg6[%multiple_of3A, %multiple_of3A_47] : memref<10000x256xf32, #tpu.memory_space<hbm>> -> memref<80x128xf32, #tpu.memory_space<hbm>>
        %dma_wait3A_51 = arith.constant 0 : i32
        %dma_wait3A_52 = tpu.memref_slice %arg11[%multiple_of3A, %dma_wait3A_51] : memref<10000x128xf32, #tpu.memory_space<vmem_shared>> -> memref<80x128xf32, #tpu.memory_space<vmem_shared>>
        tpu.wait_dma2 semaphore(%run_scoped3A : memref<!tpu.dma_semaphore, #tpu.memory_space<semaphore_mem>>) src(%dma_wait3A_52 : memref<80x128xf32, #tpu.memory_space<vmem_shared>>) dst(%dma_wait3A : memref<80x128xf32, #tpu.memory_space<hbm>>)
        tpu.yield
      }) : () -> ()
      %while3A_48 = arith.constant 0 : i32
      scf.yield %while3A_48 : i32
    }
    %while3A_39 = arith.constant 1 : i32
    %while3A_40 = scf.for %while3A_41 = %while3A_36 to %while3A_32 step %while3A_39 iter_args(%while3A_42 = %while3A_38) -> (i32)  : i32 {
      %mul3A_43 = arith.constant 80 : i32
      %mul3A_44 = arith.muli %while3A_41, %mul3A_43 : i32
      %add3A = arith.addi %mul3A_7, %mul3A_44 : i32
      %multiple_of3A = tpu.assume_multiple %add3A, 8 : i32
      %mul3A_45 = arith.constant 128 : i32
      %mul3A_46 = arith.muli %arg0, %mul3A_45 : i32
      %multiple_of3A_47 = tpu.assume_multiple %mul3A_46, 128 : i32
      "tpu.region"() ({
        %run_scoped3A = tpu.sem_alloc : memref<!tpu.dma_semaphore, #tpu.memory_space<semaphore_mem>>
        %dma_start3A = tpu.memref_slice %arg6[%multiple_of3A, %multiple_of3A_47] : memref<10000x256xf32, #tpu.memory_space<hbm>> -> memref<80x128xf32, #tpu.memory_space<hbm>>
        %dma_start3A_49 = arith.constant 0 : i32
        %dma_start3A_50 = tpu.memref_slice %arg11[%multiple_of3A, %dma_start3A_49] : memref<10000x128xf32, #tpu.memory_space<vmem_shared>> -> memref<80x128xf32, #tpu.memory_space<vmem_shared>>
        tpu.enqueue_dma source(%dma_start3A_50 : memref<80x128xf32, #tpu.memory_space<vmem_shared>>) target(%dma_start3A : memref<80x128xf32, #tpu.memory_space<hbm>>) target_semaphore(%run_scoped3A : memref<!tpu.dma_semaphore, #tpu.memory_space<semaphore_mem>>)
        %dma_wait3A = tpu.memref_slice %arg6[%multiple_of3A, %multiple_of3A_47] : memref<10000x256xf32, #tpu.memory_space<hbm>> -> memref<80x128xf32, #tpu.memory_space<hbm>>
        %dma_wait3A_51 = arith.constant 0 : i32
        %dma_wait3A_52 = tpu.memref_slice %arg11[%multiple_of3A, %dma_wait3A_51] : memref<10000x128xf32, #tpu.memory_space<vmem_shared>> -> memref<80x128xf32, #tpu.memory_space<vmem_shared>>
        tpu.wait_dma2 semaphore(%run_scoped3A : memref<!tpu.dma_semaphore, #tpu.memory_space<semaphore_mem>>) src(%dma_wait3A_52 : memref<80x128xf32, #tpu.memory_space<vmem_shared>>) dst(%dma_wait3A : memref<80x128xf32, #tpu.memory_space<hbm>>)
        tpu.yield
      }) : () -> ()
      %while3A_48 = arith.constant 0 : i32
      scf.yield %while3A_48 : i32
    }
    return
  }
}

module attributes {stable_mosaic.version = 14 : i64} {
  func.func @_mm_body(%arg0: i32, %arg1: i32, %arg2: memref<1000x256xf32, #tpu.memory_space<vmem>>, %arg3: memref<256x128xf32, #tpu.memory_space<vmem>>, %arg4: memref<1000x128xf32, #tpu.memory_space<vmem>>) attributes {dimension_semantics = [#tpu.dimension_semantics<arbitrary>, #tpu.dimension_semantics<arbitrary>], iteration_bounds = array<i64: 2, 10>, scalar_prefetch = 0 : i64, scratch_operands = 0 : i64, tpu.core_type = #tpu.core_type<tc>, window_params = [{transform_indices = @transform_0, window_bounds = array<i64: 1000, 256>}, {transform_indices = @transform_1, window_bounds = array<i64: 256, 128>}, {transform_indices = @transform_2, window_bounds = array<i64: 1000, 128>}]} {
    %get3A = arith.constant 0 : index
    %get3A_0 = arith.constant 0 : index
    %get3A_1 = vector.load %arg2[%get3A, %get3A_0] : memref<1000x256xf32, #tpu.memory_space<vmem>>, vector<1000x256xf32>
    %get3A_2 = arith.constant 0 : index
    %get3A_3 = arith.constant 0 : index
    %get3A_4 = vector.load %arg3[%get3A_2, %get3A_3] : memref<256x128xf32, #tpu.memory_space<vmem>>, vector<256x128xf32>
    %dot_general3A = arith.constant dense<0.000000e+00> : vector<1000x128xf32>
    %dot_general3A_5 = tpu.matmul %get3A_1, %get3A_4, %dot_general3A {dimension_numbers = #tpu.dot_dimension_numbers<[1], [0], [0], [1], [0, 0, 1, 1], [], []>, transpose_lhs_hint = false} : vector<1000x256xf32>, vector<256x128xf32>, vector<1000x128xf32> -> vector<1000x128xf32>
    %swap3A = arith.constant 0 : index
    %swap3A_6 = arith.constant 0 : index
    %swap3A_7 = vector.load %arg4[%swap3A, %swap3A_6] : memref<1000x128xf32, #tpu.memory_space<vmem>>, vector<1000x128xf32>
    tpu.vector_store %arg4[%swap3A, %swap3A_6], %dot_general3A_5 {strides = array<i32>} : memref<1000x128xf32, #tpu.memory_space<vmem>>, vector<1000x128xf32>,
    return
  }
  func.func @transform_0(%arg0: i32, %arg1: i32) -> (i32, i32) {
    %c0_i32 = arith.constant 0 : i32
    %c0_i32_0 = arith.constant 0 : i32
    return %arg1, %c0_i32 : i32, i32
  }
  func.func @transform_1(%arg0: i32, %arg1: i32) -> (i32, i32) {
    %c0_i32 = arith.constant 0 : i32
    %c0_i32_0 = arith.constant 0 : i32
    return %c0_i32, %arg0 : i32, i32
  }
  func.func @transform_2(%arg0: i32, %arg1: i32) -> (i32, i32) {
    %mul3A = arith.constant 10 : i32
    %mul3A_0 = arith.muli %arg0, %mul3A : i32
    %add3A = arith.addi %mul3A_0, %arg1 : i32
    %c0_i32 = arith.constant 0 : i32
    %c0_i32_1 = arith.constant 0 : i32
    return %add3A, %c0_i32 : i32, i32
  }
}

</mosaic_0001>

<sc_bundles>
// kernel: kernel.4.cloned.1.call-start
scs
__scs_entry_jumppad:
0x0: {  	(pc) =	sbr.rel $0x88, $3  }
0x1: {  	(tag) =	ssettag $0x0;
	lr =	simm.s32 $0x1  }
0x2: {  	[smem:$0x3F9D] =	sst lr;
	_ =	strace $0xD0000000  }
0x3: {  	_ = 	snop  }
0x4: {  	_ = 	snop  }
0x5: {  	_ = 	snop  }
0x6: {  	_ = 	snop  }
0x7: {  	_ = 	snop  }
__scs_overlays_trampoline_lowered:
0x8: {  	[smem:$0x3FAC] =	sst s0  }
0x9: {  	[smem:$0x3FAD] =	sst s1  }
0xa: {  	[smem:$0x3FAE] =	sst s2  }
0xb: {  	[smem:$0x3FAF] =	sst s3  }
0xc: {  	[smem:$0x3FB0] =	sst s4  }
0xd: {  	[smem:$0x3FB1] =	sst s5  }
0xe: {  	[smem:$0x3FB2] =	sst s6  }
0xf: {  	[smem:$0x3FB3] =	sst s7  }
0x10: {  	[smem:$0x3FB4] =	sst s8  }
0x11: {  	[smem:$0x3FB5] =	sst s9;
	s0 =	simm.s32 @!p0 $0x0  }
0x12: {  	s1 =	sld [smem:$0x3F9B];
	s0 =	simm.s32 @p0 $0x1  }
0x13: {  	[smem:$0x3FB6] =	sst s0;
	s0 =	simm.s32 @!p1 $0x0  }
0x14: {  	s2 =	sld [smem:$0x3F9A];
	s0 =	simm.s32 @p1 $0x1  }
0x15: {  	[smem:$0x3FB7] =	sst s0;
	s0 =	simm.s32 @!p2 $0x0  }
0x16: {  	s3 =	sld [smem:$0x3FDB];
	s0 =	simm.s32 @p2 $0x1  }
0x17: {  	s4 =	simm.s32 $0x1BF5;
	[smem:$0x3FB9] =	sst s0  }
0x18: {  	s0 =	sld [smem:$0x3F9C];
	_ =	swait.ge [sflag:s4], $0x0  }
0x19: {  	s7 =	sld [smem:$0x3F9D]  }
0x1a: {  	s8 =	sadd.s32 $0xFFFFE003, lr  }
0x1b: {  	s9 =	sadd.s32 $0xFFFFFEF7, lr;
	s5 =	simm.s32 $0xFFFFFFFF;
	p2 =	slt.u32 s8, $0xFFFFF086  }
0x1c: {  	p1 =	slt.u32 s9, $0xF7A;
	s5 =	simm.s32 @!p2 $0x0  }
0x1d: {  	s5 =	simm.s32 @p1 $0x1;
	p0 =	seq.s32 s7, s2  }
0x1e: {  	s7 =	smul.u32 @!p0 $0xF7A, s2;
	p2 =	seq.s32 @!p0 s5, $0x0  }
0x1f: {  	s9 =	smul.u32 $0xF7A, s1;
	s8 =	simm.s32 @!p0 $0x1BF5;
	p2 =	por !p2, p0  }
0x20: {  	[sflag:s8] =	ssyncset.s32 @!p0 $0xFFFFF086;
	s6 =	sadd.s32 @!p0 s3, s7;
	s7 =	simm.s32 @!p0 $0x108  }
0x21: {  	s3 =	sadd.s32 s3, s9;
	s6 =	sadd.s32 @!p0 $0x88, s6;
	s7 =	simm.s32 @p2 $0x1082  }
0x22: {  	[simem:s7], [sflag:s8] =	dma.local @!p0 [hbm:s6], $0xF7A  }
0x23: {  	s9 =	sor.u32 $0xD0000000, s2;
	s6 =	simm.s32 $0x108;
	_ =	swait.ge @!p0 [sflag:s8], $0x0  }
0x24: {  	s3 =	sadd.s32 $0x88, s3;
	s6 =	simm.s32 @!p1 $0x1082;
	[sflag:s4] =	ssyncset.s32 $0xFFFFF086  }
0x25: {  	[simem:s6], [sflag:s4] =	dma.local [hbm:s3], $0xF7A  }
0x26: {  	[smem:$0x3F9D] =	sst s1;
	(tag) =	ssettag s2;
	_ =	strace s9  }
0x27: {  	s1 =	sld [smem:$0x3FAD]  }
0x28: {  	s2 =	sld [smem:$0x3FAE]  }
0x29: {  	s4 =	sld [smem:$0x3FB0]  }
0x2a: {  	p0 =	seq.s32 s5, $0x0;
	s5 =	sld [smem:$0x3FB1]  }
0x2b: {  	s6 =	sld [smem:$0x3FB2]  }
0x2c: {  	s7 =	sld [smem:$0x3FB3]  }
0x2d: {  	s3 =	simm.s32 $0x108;
	s8 =	sld [smem:$0x3FB4]  }
0x2e: {  	s3 =	simm.s32 @!p0 $0x1082;
	s9 =	sld [smem:$0x3FB5]  }
0x2f: {  	lr =	sadd.s32 s0, s3;
	s0 =	sld [smem:$0x3FAC]  }
0x30: {  	s3 =	sld [smem:$0x3FAF]  }
0x31: {  	[smem:$0x3FB8] =	sst s10  }
0x32: {  	s10 =	sld [smem:$0x3FB6];
	_ =	sdelay $0x3  }
0x33: {  	p0 =	seq.s32 s10, $0x1;
	s10 =	sld [smem:$0x3FB8];
	_ =	sdelay $0x3  }
0x34: {  	[smem:$0x3FB8] =	sst s10  }
0x35: {  	s10 =	sld [smem:$0x3FB7];
	_ =	sdelay $0x3  }
0x36: {  	p1 =	seq.s32 s10, $0x1;
	s10 =	sld [smem:$0x3FB8];
	_ =	sdelay $0x3  }
0x37: {  	[smem:$0x3FB8] =	sst s10  }
0x38: {  	s10 =	sld [smem:$0x3FB9]  }
0x39: {  	_ = 	snop;
	(pc) =	sbr.ind lr, $3  }
0x3a: {  	_ = 	snop  }
0x3b: {  	_ = 	snop  }
0x3c: {  	p2 =	seq.s32 s10, $0x1;
	s10 =	sld [smem:$0x3FB8]  }
0x3d: {  	_ =	shalt  }
0x3e: {  	_ =	shalt  }
0x3f: {  	_ =	shalt  }
0x40: {  	_ =	shalt  }
0x41: {  	_ =	shalt  }
0x42: {  	_ =	shalt  }
0x43: {  	_ =	shalt  }
0x44: {  	_ =	shalt  }
0x45: {  	_ =	shalt  }
0x46: {  	_ =	shalt  }
0x47: {  	_ =	shalt  }
0x48: {  	_ =	shalt  }
0x49: {  	_ =	shalt  }
0x4a: {  	_ =	shalt  }
0x4b: {  	_ =	shalt  }
0x4c: {  	_ =	shalt  }
0x4d: {  	_ =	shalt  }
0x4e: {  	_ =	shalt  }
0x4f: {  	_ =	shalt  }
0x50: {  	_ =	shalt  }
0x51: {  	_ =	shalt  }
0x52: {  	_ =	shalt  }
0x53: {  	_ =	shalt  }
0x54: {  	_ =	shalt  }
0x55: {  	_ =	shalt  }
0x56: {  	_ =	shalt  }
0x57: {  	_ =	shalt  }
0x58: {  	_ =	shalt  }
0x59: {  	_ =	shalt  }
0x5a: {  	_ =	shalt  }
0x5b: {  	_ =	shalt  }
0x5c: {  	_ =	shalt  }
0x5d: {  	_ =	shalt  }
0x5e: {  	_ =	shalt  }
0x5f: {  	_ =	shalt  }
0x60: {  	_ =	shalt  }
0x61: {  	_ =	shalt  }
0x62: {  	_ =	shalt  }
0x63: {  	_ =	shalt  }
0x64: {  	_ =	shalt  }
0x65: {  	_ =	shalt  }
0x66: {  	_ =	shalt  }
0x67: {  	_ =	shalt  }
0x68: {  	_ =	shalt  }
0x69: {  	_ =	shalt  }
0x6a: {  	_ =	shalt  }
0x6b: {  	_ =	shalt  }
0x6c: {  	_ =	shalt  }
0x6d: {  	_ =	shalt  }
0x6e: {  	_ =	shalt  }
0x6f: {  	_ =	shalt  }
0x70: {  	_ =	shalt  }
0x71: {  	_ =	shalt  }
0x72: {  	_ =	shalt  }
0x73: {  	_ =	shalt  }
0x74: {  	_ =	shalt  }
0x75: {  	_ =	shalt  }
0x76: {  	_ =	shalt  }
0x77: {  	_ =	shalt  }
0x78: {  	_ =	shalt  }
0x79: {  	_ =	shalt  }
0x7a: {  	_ =	shalt  }
0x7b: {  	_ =	shalt  }
0x7c: {  	_ =	shalt  }
0x7d: {  	_ =	shalt  }
0x7e: {  	_ =	shalt  }
0x7f: {  	_ =	shalt  }
0x80: {  	_ =	shalt  }
0x81: {  	_ =	shalt  }
0x82: {  	_ =	shalt  }
0x83: {  	_ =	shalt  }
0x84: {  	_ =	shalt  }
0x85: {  	_ =	shalt  }
0x86: {  	_ =	shalt  }
0x87: {  	_ =	shalt  }
.Lfunc_end0:
.L_simem_size_0:
called_computation_lowered:
.L_overlay_start_0:
0x88: {  	s2 =	sld [smem:$0x3FD9]  }
0x89: {  	s3 =	sld [smem:$0x3FFE];
	_ =	sdelay $0x1  }
0x8a: {  	s1 =	srdreg.scid  }
0x8b: {  	s0 =	sand.u32 $0x1, s1  }
0x8c: {  	s17 =	sshll.u32 s0, $0xA;
	s2 =	sadd.s32 s3, s2  }
0x8d: {  	s2 =	sadd.s32 s2, s17  }
0x8e: {  	[smem:$0x3FC4] =	sst s2  }
0x8f: {  	_ = 	snop  }
0x90: {  	s2 =	sld [smem:$0x3FD0];
	(tm) =	ssettm $0x1  }
0x91: {  	s18 =	sld [smem:$0x3FFB];
	_ =	sdelay $0x3  }
0x92: {  	_ =	strace s18  }
0x93: {  	s3 =	sld [smem:$0x3FFC];
	_ =	sdelay $0x3  }
0x94: {  	_ =	strace s3  }
0x95: {  	s3 =	sld [smem:$0x3FFD];
	_ =	sdelay $0x3  }
0x96: {  	_ =	strace s3  }
0x97: {  	_ =	strace $0x8FFFFFFF  }
0x98: {  	s19 =	sld [smem:$0x3FDB];
	_ =	sdelay $0x1  }
0x99: {  	s4 =	simm.s32 $_scs_section_size  }
0x9a: {  	s5 =	simm.s32 $_size__tile_overlayer_lowered;
	s6 =	simm.s32 $_tile_overlayer_lowered  }
0x9b: {  	s22 =	simm.s32 $0x1BFF;
	s21 =	sshll.u32 s6, $0x1;
	s3 =	sadd.s32 s4, s19  }
0x9c: {  	s7 =	simm.s32 $0x0;
	s20 =	sshll.u32 s5, $0x1;
	s5 =	sadd.s32 s21, s3  }
0x9d: {  	[timem:s7], [sflag:s22] =	dma.local [hbm:s5], s20  }
0x9e: {  	_ =	swait.ge [sflag:s22], s20  }
0x9f: {  	s4 =	ssub.s32 $0x0, s20;
	[sflag:s22] =	ssyncset.done $0x0  }
0xa0: {  	[sflag:s22] =	ssyncadd.s32 s4;
	_ =	sdelay $0x1  }
0xa1: {  	s23 =	simm.s32 $0x1B8B  }
0xa2: {  	_ =	swait.ge [sflag:s23], $0x1  }
0xa3: {  	[sflag:s23] =	ssyncset.done $0x0  }
0xa4: {  	s25 =	simm.s32 $0x1B8E;
	s24 =	sld [smem:$0x3FFE];
	[sflag:s23] =	ssyncadd.s32 $0xFFFFFFFF  }
0xa5: {  	s26 =	simm.s32 $execute0_lowered;
	[smem:$0x3FD2] =	sst s25  }
0xa6: {  	s5 =	sshll.u32 s26, $0x1;
	_ =	strace $0x80000046;
	[dreg:$0x1] =	wrdreg $0xFFFFFFFF  }
0xa7: {  	s28 =	simm.s32 $_size_execute0_lowered;
	s3 =	sadd.s32 s3, s5;
	[dreg:$0x0] =	wrdreg $0x0  }
0xa8: {  	s5 =	sshll.u32 s28, $0x1;
	[dreg:$0x2] =	wrdreg s3  }
0xa9: {  	[dreg:$0x3] =	wrdreg s5  }
0xaa: {  	[dreg:$0x4] =	wrdreg $0xC0  }
0xab: {  	_ =	task [dreg:s7], $0x5FFFF  }
0xac: {  	[dreg:$0x1] =	wrdreg $0xFFFFFFFF  }
0xad: {  	[dreg:$0x0] =	wrdreg $0x60  }
0xae: {  	[dreg:$0x2] =	wrdreg s24  }
0xaf: {  	[dreg:$0x3] =	wrdreg s2  }
0xb0: {  	[dreg:$0x4] =	wrdreg $0x58000  }
0xb1: {  	[dreg:$0x5] =	wrdreg $0x9  }
0xb2: {  	_ =	task.clear_ibuf [dreg:s7], $0x6FFFF;
	_ =	strace $0x90000046  }
0xb3: {  	s29 =	simm.s32 $0x9;
	_ =	strace $0x80000048  }
0xb4: {  	_ =	swait.ge [sflag:s29], $0x1  }
0xb5: {  	[sflag:s29] =	ssyncadd.s32 $0xFFFFFFFF  }
0xb6: {  	_ =	strace $0x90000048  }
0xb7: {  	_ =	sfence  }
0xb8: {  	s30 =	sld [smem:$0x0];
	_ =	sdelay $0x2  }
0xb9: {  	s31 =	sshll.u32 s1, $0xD;
	s1 =	sshrl.u32 s1, $0x2  }
0xba: {  	s3 =	sand.u32 $0x4000, s31;
	s1 =	sadd.s32 s1, s30  }
0xbb: {  	s0 =	sor.u32 s3, s0;
	s1 =	sshll.u32 s1, $0x11  }
0xbc: {  	s0 =	sor.u32 s1, s0  }
0xbd: {  	s0 =	sadd.s32 $0x8F2B, s0  }
0xbe: {  	[sflag:s0] =	ssyncadd.remote.s32 $0x1  }
0xbf: {  	_ =	sfence.sel $0xFFFF  }
0xc0: {  	[dreg:$0x0] =	wrdreg $0xFFFFFFFF;
	(pc) =	sbr.abs _section_cstart, $3  }
0xc1: {  	[dreg:$0x1] =	wrdreg $0xFFFFFFFF  }
0xc2: {  	_ =	task.clear_ibuf [dreg:s7], $0x2FFFF;
	_ =	strace $0x9FFFFFFF  }
0xc3: {  	(tm) =	ssettm $0x7FFFFFFF  }
tec
execute0_lowered:
.L_overlay_start_1:
0x0: {  	(tag) =	ssettag $0x1  }
0x1: {  	s1 =	rddreg [dreg:$0x0]  }
0x2: {  	s2 =	rddreg [dreg:$0x1]  }
0x3: {  	s3 =	rddreg [dreg:$0x2]  }
0x4: {  	s0 =	rddreg [dreg:$0x3];
	s4 =	simm.s32 $0x0;
	s5 =	srdreg.scid  }
0x5: {  	s17 =	simm.s32 $0x1000;
	s18 =	simm.s32 $0x2000;
	s19 =	simm.s32 $0x50  }
0x6: {  	s20 =	simm.s32 $0x1;
	s21 =	simm.s32 $0x8;
	s22 =	simm.s32 $0x100  }
0x7: {  	s23 =	simm.s32 $0x80;
	s24 =	simm.s32 $0x0;
	[smem:$0x7FF] =	sst s4  }
0x8: {  	s12 =	sand.u32 $0x1, s5;
	s6 =	sadd.s32 $0x28000, s1;
	s7 =	sadd.s32 $0x14000, s1  }
0x9: {  	s5 =	stileid.u32;
	s8 =	sadd.s32 $0xA000, s1;
	s11 =	smul.u32 $0x50000, s12  }
0xa: {  	_ =	strace $0x80000047;
	s9 =	ssub.s32 $0x2, s12;
	s14 =	smul.u32 $0x50000, s5  }
0xb: {  	p0 =	seq.s32 s5, $0xF;
	s15 =	smul.u32 $0x28000, s5;
	s10 =	sshrl.u32 s9, $0x1  }
0xc: {  	s16 =	sshll.u32 s12, $0xA;
	s13 =	ssub.s32 s9, s10;
	s9 =	smul.u32 $0x5000, s5  }
0xd: {  	s10 =	simm.s32 $0x5;
	s31 =	sshrl.u32 s14, $0x2;
	s14 =	sor.u32 s16, s15  }
0xe: {  	s15 =	simm.s32 $0x3000;
	s16 =	simm.s32 $0x2;
	s10 =	simm.s32 @!p0 $0x8  }
0xf: {  	v0 =	vimm.f32 $0.0e+00;
	s12 =	smax.u32 s13, $0x1;
	s13 =	sadd.s32 s31, s3;
	s11 =	sadd.s32 s11, s9  }
.LBB2_1:
0x10: {  	s25 =	sand.u32 $0xFE00, s4  }
0x11: {  	s26 =	sand.u32 $0x70, s4;
	s28 =	sshrl.u32 s25, $0x2  }
0x12: {  	s25 =	simm.s32 $0x40;
	s28 =	sor.u32 s26, s28;
	s26 =	simm.s32 $0x0  }
.LBB2_2:
0x13: {  	p0 =	sne.s32 s25, $0x9FC0  }
0x14: {  	[tilespmem:s28+$0x3000] =	vst v0;
	s26 =	sadd.s32 $0x10, s26;
	s28 =	smov.u32 s25;
	s25 =	sadd.s32 $0x40, s25  }
.Ltmp0:
0x15: {  	(pc) =	sbr.rel @p0 .LBB2_2-.Ltmp0, $4  }
0x16: {  	_ = 	snop  }
0x17: {  	s28 =	sand.u32 $0xFE00, s28  }
0x18: {  	s29 =	sand.u32 $0x70, s26;
	s28 =	sshrl.u32 s28, $0x2  }
0x19: {  	s28 =	sor.u32 s29, s28  }
0x1a: {  	p0 =	sne.s32 s10, $0x1  }
.Ltmp1:
0x1b: {  	_ = 	snop;
	(pc) =	sbr.rel @!p0 .LBB2_5-.Ltmp1, $4  }
0x1c: {  	[tilespmem:s28+$0x3000] =	vst v0  }
0x1d: {  	[spmem:s13] =	stream.linear.scatter [tilespmem:s15], [sflag:$0x2], $0x2800, $0x38;
	[tilespmem:$0x19080] =	vst v63  }
0x1e: {  	_ =	swait.ge [sflag:s16], $0x2800  }
0x1f: {  	s25 =	sadd.s32 $0xFFFFFFFF, s10;
	s26 =	smov.u32 s13;
	[sflag:s16] =	ssyncset.done $0x0  }
.LBB2_4:
0x20: {  	p1 =	sne.s32 s25, $0x1;
	[sflag:s16] =	ssyncadd.s32 $0xFFFFD800;
	s26 =	sadd.s32 $0x2800, s26  }
.Ltmp2:
0x21: {  	s25 =	sadd.s32 $0xFFFFFFFF, s25;
	(pc) =	sbr.rel @p1 .LBB2_4-.Ltmp2, $4  }
0x22: {  	_ = 	snop  }
0x23: {  	[spmem:s26] =	stream.linear.scatter [tilespmem:s15], [sflag:$0x2], $0x2800, $0x38;
	[tilespmem:$0x19080] =	vst v63  }
0x24: {  	_ =	swait.ge [sflag:s16], $0x2800  }
0x25: {  	[sflag:s16] =	ssyncset.done $0x0  }
.LBB2_5:
0x26: {  	[sflag:s16] =	ssyncadd.s32 $0xFFFFD800  }
0x27: {  	s25 =	simm.s32 $0x0;
	s26 =	simm.s32 $0x0;
	[bflag:$0x0] =	sbarrier.arrive $0xFFFF  }
.LBB2_6:
0x28: {  	s28 =	sshll.u32 s26, $0xC  }
0x29: {  	s29 =	sadd.s32 s11, s28  }
0x2a: {  	s29 =	sshrl.u32 s29, $0x3  }
0x2b: {  	s29 =	sadd.s32 s7, s29  }
0x2c: {  	[tilespmem:s25], [sflag:$0x2] =	stream.linear.gather [hbm4b:s29+s25], $0xC80, $0x38;
	[tilespmem:$0x19080] =	vst v63  }
0x2d: {  	s28 =	sadd.s32 s9, s28;
	_ =	swait.ge [sflag:s16], $0xC80  }
0x2e: {  	s28 =	sshrl.u32 s28, $0x3;
	[sflag:s16] =	ssyncset.done $0x0  }
0x2f: {  	s31 =	sadd.s32 s8, s28;
	[sflag:s16] =	ssyncadd.s32 $0xFFFFF380  }
0x30: {  	[tilespmem:s17], [sflag:$0x2] =	stream.linear.gather [hbm4b:s31+s25], $0xC80, $0x38;
	[tilespmem:$0x19080] =	vst v63  }
0x31: {  	_ =	swait.ge [sflag:s16], $0xC80  }
0x32: {  	[sflag:s16] =	ssyncset.done $0x0  }
0x33: {  	s28 =	sadd.s32 s1, s28;
	[sflag:s16] =	ssyncadd.s32 $0xFFFFF380  }
0x34: {  	[tilespmem:s18], [sflag:$0x2] =	stream.linear.gather [hbm4b:s28+s25], $0xC80, $0x38;
	[tilespmem:$0x19080] =	vst v63  }
0x35: {  	_ =	swait.ge [sflag:s16], $0xC80  }
0x36: {  	[sflag:s16] =	ssyncset.done $0x0  }
0x37: {  	s28 =	simm.s32 $0x0;
	[sflag:s16] =	ssyncadd.s32 $0xFFFFF380  }
.LBB2_7:
0x38: {  	s29 =	sshll.u32 s28, $0x7  }
0x39: {  	[tilespmem:s15], [sflag:$0x1] =	stream.indirect.gather [hbm4b:s6+s19], $0x80, s29, s19, $0xb8;
	[tilespmem:$0x19080] =	vst v63  }
0x3a: {  	s31 =	sadd.s32 $0x2000, s29  }
0x3b: {  	_ =	swait.ge [sflag:s20], $0x2800;
	v1 =	vmov s31  }
0x3c: {  	[sflag:s20] =	ssyncset.done $0x0  }
0x3d: {  	s30 =	simm.s32 $0x0;
	[sflag:s20] =	ssyncadd.s32 $0xFFFFD800  }
.LBB2_8:
0x3e: {  	s31 =	sshll.u32 s30, $0x4  }
0x3f: {  	s31 =	sand.u32 $0x3FFFFFF0, s31  }
0x40: {  	v2 =	vld.idx.msk [tilespmem:v1+s31+$0x0 ss:$0x1], $0xffff;
	s31 =	sshll.u32 s30, $0xB  }
0x41: {  	s31 =	sand.u32 $0x3FFFF800, s31  }
0x42: {  	v3 =	vld [tilespmem:s31+$0x3000]  }
0x43: {  	v4 =	vld [tilespmem:s31+$0x3010]  }
0x44: {  	v5 =	vld [tilespmem:s31+$0x3020]  }
0x45: {  	v7 =	vld [tilespmem:s31+$0x3030];
	v6 =	vbroadcast v2, $0x0  }
0x46: {  	v8 =	vld [tilespmem:s31+$0x3040]  }
0x47: {  	v9 =	vld [tilespmem:s31+$0x3050];
	v3 =	vmul.f32 v6, v3  }
0x48: {  	v10 =	vld [tilespmem:s31+$0x3060];
	v4 =	vmul.f32 v4, v6  }
0x49: {  	v24 =	vld [tilespmem:s31+$0x3070];
	[tilespmem:s31+$0x3000] =	vst v3;
	v3 =	vmul.f32 v5, v6  }
0x4a: {  	v26 =	vld [tilespmem:s31+$0x3080];
	v25 =	vmul.f32 v7, v6;
	[tilespmem:s31+$0x3010] =	vst v4  }
0x4b: {  	v27 =	vld [tilespmem:s31+$0x3090];
	[tilespmem:s31+$0x3020] =	vst v3;
	v3 =	vmul.f32 v8, v6  }
0x4c: {  	v29 =	vld [tilespmem:s31+$0x30A0];
	v28 =	vmul.f32 v9, v6;
	[tilespmem:s31+$0x3030] =	vst v25  }
0x4d: {  	v11 =	vld [tilespmem:s31+$0x30B0];
	v30 =	vbroadcast v2, $0x1;
	[tilespmem:s31+$0x3040] =	vst v3;
	v3 =	vmul.f32 v10, v6  }
0x4e: {  	v32 =	vld [tilespmem:s31+$0x30C0];
	v31 =	vmul.f32 v24, v6;
	[tilespmem:s31+$0x3050] =	vst v28  }
0x4f: {  	v33 =	vld [tilespmem:s31+$0x30D0];
	[tilespmem:s31+$0x3060] =	vst v3;
	v3 =	vmul.f32 v26, v30  }
0x50: {  	v35 =	vld [tilespmem:s31+$0x30E0];
	v34 =	vmul.f32 v27, v30;
	[tilespmem:s31+$0x3070] =	vst v31  }
0x51: {  	v36 =	vld [tilespmem:s31+$0x30F0];
	[tilespmem:s31+$0x3080] =	vst v3;
	v3 =	vmul.f32 v29, v30  }
0x52: {  	v38 =	vld [tilespmem:s31+$0x3100];
	v37 =	vmul.f32 v11, v30;
	[tilespmem:s31+$0x3090] =	vst v34  }
0x53: {  	v39 =	vld [tilespmem:s31+$0x3110];
	[tilespmem:s31+$0x30A0] =	vst v3;
	v3 =	vmul.f32 v32, v30  }
0x54: {  	v41 =	vld [tilespmem:s31+$0x3120];
	v40 =	vmul.f32 v33, v30;
	[tilespmem:s31+$0x30B0] =	vst v37  }
0x55: {  	v43 =	vld [tilespmem:s31+$0x3130];
	v42 =	vbroadcast v2, $0x2;
	[tilespmem:s31+$0x30C0] =	vst v3;
	v3 =	vmul.f32 v35, v30  }
0x56: {  	v45 =	vld [tilespmem:s31+$0x3140];
	v44 =	vmul.f32 v36, v30;
	[tilespmem:s31+$0x30D0] =	vst v40  }
0x57: {  	v46 =	vld [tilespmem:s31+$0x3150];
	[tilespmem:s31+$0x30E0] =	vst v3;
	v3 =	vmul.f32 v38, v42  }
0x58: {  	v48 =	vld [tilespmem:s31+$0x3160];
	v47 =	vmul.f32 v39, v42;
	[tilespmem:s31+$0x30F0] =	vst v44  }
0x59: {  	v49 =	vld [tilespmem:s31+$0x3170];
	[tilespmem:s31+$0x3100] =	vst v3;
	v3 =	vmul.f32 v41, v42  }
0x5a: {  	v51 =	vld [tilespmem:s31+$0x3180];
	v50 =	vmul.f32 v43, v42;
	[tilespmem:s31+$0x3110] =	vst v47  }
0x5b: {  	v52 =	vld [tilespmem:s31+$0x3190];
	[tilespmem:s31+$0x3120] =	vst v3;
	v3 =	vmul.f32 v45, v42  }
0x5c: {  	v54 =	vld [tilespmem:s31+$0x31A0];
	v53 =	vmul.f32 v46, v42;
	[tilespmem:s31+$0x3130] =	vst v50  }
0x5d: {  	v56 =	vld [tilespmem:s31+$0x31B0];
	v55 =	vbroadcast v2, $0x3;
	[tilespmem:s31+$0x3140] =	vst v3;
	v3 =	vmul.f32 v48, v42  }
0x5e: {  	v58 =	vld [tilespmem:s31+$0x31C0];
	v57 =	vmul.f32 v49, v42;
	[tilespmem:s31+$0x3150] =	vst v53  }
0x5f: {  	v59 =	vld [tilespmem:s31+$0x31D0];
	[tilespmem:s31+$0x3160] =	vst v3;
	v3 =	vmul.f32 v51, v55  }
0x60: {  	v61 =	vld [tilespmem:s31+$0x31E0];
	v60 =	vmul.f32 v52, v55;
	[tilespmem:s31+$0x3170] =	vst v57  }
0x61: {  	v62 =	vld [tilespmem:s31+$0x31F0];
	[tilespmem:s31+$0x3180] =	vst v3;
	v3 =	vmul.f32 v54, v55  }
0x62: {  	v12 =	vld [tilespmem:s31+$0x3200];
	v63 =	vmul.f32 v56, v55;
	[tilespmem:s31+$0x3190] =	vst v60  }
0x63: {  	v13 =	vld [tilespmem:s31+$0x3210];
	[tilespmem:s31+$0x31A0] =	vst v3;
	v3 =	vmul.f32 v58, v55  }
0x64: {  	v15 =	vld [tilespmem:s31+$0x3220];
	v14 =	vmul.f32 v59, v55;
	[tilespmem:s31+$0x31B0] =	vst v63  }
0x65: {  	v17 =	vld [tilespmem:s31+$0x3230];
	v16 =	vbroadcast v2, $0x4;
	[tilespmem:s31+$0x31C0] =	vst v3;
	v3 =	vmul.f32 v61, v55  }
0x66: {  	v19 =	vld [tilespmem:s31+$0x3240];
	v18 =	vmul.f32 v62, v55;
	[tilespmem:s31+$0x31D0] =	vst v14  }
0x67: {  	v20 =	vld [tilespmem:s31+$0x3250];
	[tilespmem:s31+$0x31E0] =	vst v3;
	v3 =	vmul.f32 v12, v16  }
0x68: {  	v22 =	vld [tilespmem:s31+$0x3260];
	v21 =	vmul.f32 v13, v16;
	[tilespmem:s31+$0x31F0] =	vst v18  }
0x69: {  	v23 =	vld [tilespmem:s31+$0x3270];
	[tilespmem:s31+$0x3200] =	vst v3;
	v3 =	vmul.f32 v15, v16  }
0x6a: {  	v24 =	vmul.f32 v17, v16;
	[tilespmem:s31+$0x3210] =	vst v21;
	v25 =	vld [tilespmem:s31+$0x3280]  }
0x6b: {  	v33 =	vld [tilespmem:s31+$0x32D0];
	[tilespmem:s31+$0x3220] =	vst v3;
	v3 =	vmul.f32 v19, v16  }
0x6c: {  	v27 =	vmul.f32 v20, v16;
	[tilespmem:s31+$0x3230] =	vst v24;
	v28 =	vld [tilespmem:s31+$0x32A0]  }
0x6d: {  	v36 =	vld [tilespmem:s31+$0x32F0];
	v29 =	vbroadcast v2, $0x5;
	[tilespmem:s31+$0x3240] =	vst v3;
	v3 =	vmul.f32 v22, v16  }
0x6e: {  	[tilespmem:s31+$0x3250] =	vst v27;
	v31 =	vmul.f32 v23, v16;
	v32 =	vld [tilespmem:s31+$0x32C0]  }
0x6f: {  	v26 =	vld [tilespmem:s31+$0x3290];
	[tilespmem:s31+$0x3260] =	vst v3;
	v3 =	vmul.f32 v25, v29  }
0x70: {  	[tilespmem:s31+$0x3270] =	vst v31;
	v40 =	vmul.f32 v33, v29;
	v35 =	vld [tilespmem:s31+$0x32E0]  }
0x71: {  	v30 =	vld [tilespmem:s31+$0x32B0];
	[tilespmem:s31+$0x3280] =	vst v3;
	v3 =	vmul.f32 v28, v29  }
0x72: {  	v44 =	vmul.f32 v36, v29;
	[tilespmem:s31+$0x32D0] =	vst v40;
	v38 =	vld [tilespmem:s31+$0x3300]  }
0x73: {  	v39 =	vld [tilespmem:s31+$0x3310];
	[tilespmem:s31+$0x32A0] =	vst v3;
	v3 =	vmul.f32 v32, v29  }
0x74: {  	v34 =	vmul.f32 v26, v29;
	[tilespmem:s31+$0x32F0] =	vst v44;
	v41 =	vld [tilespmem:s31+$0x3320]  }
0x75: {  	v43 =	vld [tilespmem:s31+$0x3330];
	v42 =	vbroadcast v2, $0x6;
	[tilespmem:s31+$0x32C0] =	vst v3;
	v3 =	vmul.f32 v35, v29  }
0x76: {  	[tilespmem:s31+$0x3290] =	vst v34;
	v37 =	vmul.f32 v30, v29;
	v45 =	vld [tilespmem:s31+$0x3340]  }
0x77: {  	v46 =	vld [tilespmem:s31+$0x3350];
	[tilespmem:s31+$0x32E0] =	vst v3;
	v3 =	vmul.f32 v38, v42  }
0x78: {  	[tilespmem:s31+$0x32B0] =	vst v37;
	v48 =	vld [tilespmem:s31+$0x3360];
	v47 =	vmul.f32 v39, v42  }
0x79: {  	v49 =	vld [tilespmem:s31+$0x3370];
	[tilespmem:s31+$0x3300] =	vst v3;
	v3 =	vmul.f32 v41, v42  }
0x7a: {  	v50 =	vmul.f32 v43, v42;
	v51 =	vld [tilespmem:s31+$0x3380];
	[tilespmem:s31+$0x3310] =	vst v47  }
0x7b: {  	v52 =	vld [tilespmem:s31+$0x3390];
	[tilespmem:s31+$0x3320] =	vst v3;
	v3 =	vmul.f32 v45, v42  }
0x7c: {  	v53 =	vmul.f32 v46, v42;
	[tilespmem:s31+$0x3330] =	vst v50;
	v54 =	vld [tilespmem:s31+$0x33A0]  }
0x7d: {  	v56 =	vld [tilespmem:s31+$0x33B0];
	v55 =	vbroadcast v2, $0x7;
	[tilespmem:s31+$0x3340] =	vst v3;
	v3 =	vmul.f32 v48, v42  }
0x7e: {  	v57 =	vmul.f32 v49, v42;
	[tilespmem:s31+$0x3350] =	vst v53;
	v58 =	vld [tilespmem:s31+$0x33C0]  }
0x7f: {  	v59 =	vld [tilespmem:s31+$0x33D0];
	[tilespmem:s31+$0x3360] =	vst v3;
	v3 =	vmul.f32 v51, v55  }
0x80: {  	[tilespmem:s31+$0x3370] =	vst v57;
	v61 =	vld [tilespmem:s31+$0x33E0];
	v60 =	vmul.f32 v52, v55  }
0x81: {  	v62 =	vld [tilespmem:s31+$0x33F0];
	[tilespmem:s31+$0x3380] =	vst v3;
	v3 =	vmul.f32 v54, v55  }
0x82: {  	v63 =	vmul.f32 v56, v55;
	v12 =	vld [tilespmem:s31+$0x3400];
	[tilespmem:s31+$0x3390] =	vst v60  }
0x83: {  	v13 =	vld [tilespmem:s31+$0x3410];
	[tilespmem:s31+$0x33A0] =	vst v3;
	v3 =	vmul.f32 v58, v55  }
0x84: {  	v14 =	vmul.f32 v59, v55;
	[tilespmem:s31+$0x33B0] =	vst v63;
	v15 =	vld [tilespmem:s31+$0x3420]  }
0x85: {  	v17 =	vld [tilespmem:s31+$0x3430];
	v16 =	vbroadcast v2, $0x8;
	[tilespmem:s31+$0x33C0] =	vst v3;
	v3 =	vmul.f32 v61, v55  }
0x86: {  	v18 =	vmul.f32 v62, v55;
	[tilespmem:s31+$0x33D0] =	vst v14;
	v19 =	vld [tilespmem:s31+$0x3440]  }
0x87: {  	v20 =	vld [tilespmem:s31+$0x3450];
	[tilespmem:s31+$0x33E0] =	vst v3;
	v3 =	vmul.f32 v12, v16  }
0x88: {  	[tilespmem:s31+$0x33F0] =	vst v18;
	v22 =	vld [tilespmem:s31+$0x3460];
	v21 =	vmul.f32 v13, v16  }
0x89: {  	v23 =	vld [tilespmem:s31+$0x3470];
	[tilespmem:s31+$0x3400] =	vst v3;
	v3 =	vmul.f32 v15, v16  }
0x8a: {  	v24 =	vmul.f32 v17, v16;
	v25 =	vld [tilespmem:s31+$0x3480];
	[tilespmem:s31+$0x3410] =	vst v21  }
0x8b: {  	v26 =	vld [tilespmem:s31+$0x3490];
	[tilespmem:s31+$0x3420] =	vst v3;
	v3 =	vmul.f32 v19, v16  }
0x8c: {  	v27 =	vmul.f32 v20, v16;
	[tilespmem:s31+$0x3430] =	vst v24;
	v28 =	vld [tilespmem:s31+$0x34A0]  }
0x8d: {  	v30 =	vld [tilespmem:s31+$0x34B0];
	v29 =	vbroadcast v2, $0x9;
	[tilespmem:s31+$0x3440] =	vst v3;
	v3 =	vmul.f32 v22, v16  }
0x8e: {  	v31 =	vmul.f32 v23, v16;
	[tilespmem:s31+$0x3450] =	vst v27;
	v32 =	vld [tilespmem:s31+$0x34C0]  }
0x8f: {  	v33 =	vld [tilespmem:s31+$0x34D0];
	[tilespmem:s31+$0x3460] =	vst v3;
	v3 =	vmul.f32 v25, v29  }
0x90: {  	[tilespmem:s31+$0x3470] =	vst v31;
	v35 =	vld [tilespmem:s31+$0x34E0];
	v34 =	vmul.f32 v26, v29  }
0x91: {  	v36 =	vld [tilespmem:s31+$0x34F0];
	[tilespmem:s31+$0x3480] =	vst v3;
	v3 =	vmul.f32 v28, v29  }
0x92: {  	v37 =	vmul.f32 v30, v29;
	v38 =	vld [tilespmem:s31+$0x3500];
	[tilespmem:s31+$0x3490] =	vst v34  }
0x93: {  	v39 =	vld [tilespmem:s31+$0x3510];
	[tilespmem:s31+$0x34A0] =	vst v3;
	v3 =	vmul.f32 v32, v29  }
0x94: {  	v40 =	vmul.f32 v33, v29;
	[tilespmem:s31+$0x34B0] =	vst v37;
	v41 =	vld [tilespmem:s31+$0x3520]  }
0x95: {  	v43 =	vld [tilespmem:s31+$0x3530];
	v42 =	vbroadcast v2, $0xA;
	[tilespmem:s31+$0x34C0] =	vst v3;
	v3 =	vmul.f32 v35, v29  }
0x96: {  	v44 =	vmul.f32 v36, v29;
	[tilespmem:s31+$0x34D0] =	vst v40;
	v45 =	vld [tilespmem:s31+$0x3540]  }
0x97: {  	v46 =	vld [tilespmem:s31+$0x3550];
	[tilespmem:s31+$0x34E0] =	vst v3;
	v3 =	vmul.f32 v38, v42  }
0x98: {  	[tilespmem:s31+$0x34F0] =	vst v44;
	v48 =	vld [tilespmem:s31+$0x3560];
	v47 =	vmul.f32 v39, v42  }
0x99: {  	v49 =	vld [tilespmem:s31+$0x3570];
	[tilespmem:s31+$0x3500] =	vst v3;
	v3 =	vmul.f32 v41, v42  }
0x9a: {  	v50 =	vmul.f32 v43, v42;
	v51 =	vld [tilespmem:s31+$0x3580];
	[tilespmem:s31+$0x3510] =	vst v47  }
0x9b: {  	v52 =	vld [tilespmem:s31+$0x3590];
	[tilespmem:s31+$0x3520] =	vst v3;
	v3 =	vmul.f32 v45, v42  }
0x9c: {  	v53 =	vmul.f32 v46, v42;
	[tilespmem:s31+$0x3530] =	vst v50;
	v54 =	vld [tilespmem:s31+$0x35A0]  }
0x9d: {  	v56 =	vld [tilespmem:s31+$0x35B0];
	v55 =	vbroadcast v2, $0xB;
	[tilespmem:s31+$0x3540] =	vst v3;
	v3 =	vmul.f32 v48, v42  }
0x9e: {  	v57 =	vmul.f32 v49, v42;
	[tilespmem:s31+$0x3550] =	vst v53;
	v58 =	vld [tilespmem:s31+$0x35C0]  }
0x9f: {  	v59 =	vld [tilespmem:s31+$0x35D0];
	[tilespmem:s31+$0x3560] =	vst v3;
	v3 =	vmul.f32 v51, v55  }
0xa0: {  	[tilespmem:s31+$0x3570] =	vst v57;
	v61 =	vld [tilespmem:s31+$0x35E0];
	v60 =	vmul.f32 v52, v55  }
0xa1: {  	v62 =	vld [tilespmem:s31+$0x35F0];
	[tilespmem:s31+$0x3580] =	vst v3;
	v3 =	vmul.f32 v54, v55  }
0xa2: {  	v63 =	vmul.f32 v56, v55;
	v12 =	vld [tilespmem:s31+$0x3600];
	[tilespmem:s31+$0x3590] =	vst v60  }
0xa3: {  	v13 =	vld [tilespmem:s31+$0x3610];
	[tilespmem:s31+$0x35A0] =	vst v3;
	v3 =	vmul.f32 v58, v55  }
0xa4: {  	v14 =	vmul.f32 v59, v55;
	[tilespmem:s31+$0x35B0] =	vst v63;
	v15 =	vld [tilespmem:s31+$0x3620]  }
0xa5: {  	v17 =	vld [tilespmem:s31+$0x3630];
	v16 =	vbroadcast v2, $0xC;
	[tilespmem:s31+$0x35C0] =	vst v3;
	v3 =	vmul.f32 v61, v55  }
0xa6: {  	v18 =	vmul.f32 v62, v55;
	[tilespmem:s31+$0x35D0] =	vst v14;
	v19 =	vld [tilespmem:s31+$0x3640]  }
0xa7: {  	v20 =	vld [tilespmem:s31+$0x3650];
	[tilespmem:s31+$0x35E0] =	vst v3;
	v3 =	vmul.f32 v12, v16  }
0xa8: {  	[tilespmem:s31+$0x35F0] =	vst v18;
	v22 =	vld [tilespmem:s31+$0x3660];
	v21 =	vmul.f32 v13, v16  }
0xa9: {  	v23 =	vld [tilespmem:s31+$0x3670];
	[tilespmem:s31+$0x3600] =	vst v3;
	v3 =	vmul.f32 v15, v16  }
0xaa: {  	v24 =	vmul.f32 v17, v16;
	v25 =	vld [tilespmem:s31+$0x3680];
	[tilespmem:s31+$0x3610] =	vst v21  }
0xab: {  	v26 =	vld [tilespmem:s31+$0x3690];
	[tilespmem:s31+$0x3620] =	vst v3;
	v3 =	vmul.f32 v19, v16  }
0xac: {  	v27 =	vmul.f32 v20, v16;
	[tilespmem:s31+$0x3630] =	vst v24;
	v28 =	vld [tilespmem:s31+$0x36A0]  }
0xad: {  	v30 =	vld [tilespmem:s31+$0x36B0];
	v29 =	vbroadcast v2, $0xD;
	[tilespmem:s31+$0x3640] =	vst v3;
	v3 =	vmul.f32 v22, v16  }
0xae: {  	v31 =	vmul.f32 v23, v16;
	[tilespmem:s31+$0x3650] =	vst v27;
	v32 =	vld [tilespmem:s31+$0x36C0]  }
0xaf: {  	v33 =	vld [tilespmem:s31+$0x36D0];
	[tilespmem:s31+$0x3660] =	vst v3;
	v3 =	vmul.f32 v25, v29  }
0xb0: {  	[tilespmem:s31+$0x3670] =	vst v31;
	v35 =	vld [tilespmem:s31+$0x36E0];
	v34 =	vmul.f32 v26, v29  }
0xb1: {  	v36 =	vld [tilespmem:s31+$0x36F0];
	[tilespmem:s31+$0x3680] =	vst v3;
	v3 =	vmul.f32 v28, v29  }
0xb2: {  	v37 =	vmul.f32 v30, v29;
	v38 =	vld [tilespmem:s31+$0x3700];
	[tilespmem:s31+$0x3690] =	vst v34  }
0xb3: {  	v39 =	vld [tilespmem:s31+$0x3710];
	[tilespmem:s31+$0x36A0] =	vst v3;
	v3 =	vmul.f32 v32, v29  }
0xb4: {  	v40 =	vmul.f32 v33, v29;
	[tilespmem:s31+$0x36B0] =	vst v37;
	v41 =	vld [tilespmem:s31+$0x3720]  }
0xb5: {  	v43 =	vld [tilespmem:s31+$0x3730];
	v42 =	vbroadcast v2, $0xE;
	[tilespmem:s31+$0x36C0] =	vst v3;
	v3 =	vmul.f32 v35, v29  }
0xb6: {  	v44 =	vmul.f32 v36, v29;
	[tilespmem:s31+$0x36D0] =	vst v40;
	v45 =	vld [tilespmem:s31+$0x3740]  }
0xb7: {  	v46 =	vld [tilespmem:s31+$0x3750];
	[tilespmem:s31+$0x36E0] =	vst v3;
	v3 =	vmul.f32 v38, v42  }
0xb8: {  	[tilespmem:s31+$0x36F0] =	vst v44;
	v48 =	vld [tilespmem:s31+$0x3760];
	v47 =	vmul.f32 v39, v42  }
0xb9: {  	v49 =	vld [tilespmem:s31+$0x3770];
	[tilespmem:s31+$0x3700] =	vst v3;
	v3 =	vmul.f32 v41, v42  }
0xba: {  	v50 =	vmul.f32 v43, v42;
	v51 =	vld [tilespmem:s31+$0x3780];
	[tilespmem:s31+$0x3710] =	vst v47  }
0xbb: {  	v52 =	vld [tilespmem:s31+$0x3790];
	[tilespmem:s31+$0x3720] =	vst v3;
	v3 =	vmul.f32 v45, v42  }
0xbc: {  	v53 =	vmul.f32 v46, v42;
	[tilespmem:s31+$0x3730] =	vst v50;
	v54 =	vld [tilespmem:s31+$0x37A0]  }
0xbd: {  	v2 =	vbroadcast v2, $0xF;
	v58 =	vld [tilespmem:s31+$0x37D0];
	[tilespmem:s31+$0x3740] =	vst v3;
	v3 =	vmul.f32 v48, v42  }
0xbe: {  	v57 =	vld [tilespmem:s31+$0x37C0];
	v56 =	vmul.f32 v49, v42;
	[tilespmem:s31+$0x3750] =	vst v53  }
0xbf: {  	v55 =	vld [tilespmem:s31+$0x37B0];
	[tilespmem:s31+$0x3760] =	vst v3;
	v3 =	vmul.f32 v51, v2  }
0xc0: {  	v60 =	vld [tilespmem:s31+$0x37E0];
	v59 =	vmul.f32 v52, v2;
	[tilespmem:s31+$0x3770] =	vst v56  }
0xc1: {  	v61 =	vld [tilespmem:s31+$0x37F0];
	[tilespmem:s31+$0x3780] =	vst v3;
	v3 =	vmul.f32 v54, v2  }
0xc2: {  	[tilespmem:s31+$0x3790] =	vst v59;
	v63 =	vmul.f32 v58, v2  }
0xc3: {  	p1 =	sne.s32 s30, $0x4;
	[tilespmem:s31+$0x37A0] =	vst v3;
	v3 =	vmul.f32 v57, v2  }
.Ltmp3:
0xc4: {  	v62 =	vmul.f32 v55, v2;
	[tilespmem:s31+$0x37D0] =	vst v63;
	(pc) =	sbr.rel @p1 .LBB2_8-.Ltmp3, $4  }
0xc5: {  	[tilespmem:s31+$0x37C0] =	vst v3;
	v3 =	vmul.f32 v60, v2  }
0xc6: {  	[tilespmem:s31+$0x37B0] =	vst v62;
	v2 =	vmul.f32 v61, v2  }
0xc7: {  	[tilespmem:s31+$0x37E0] =	vst v3  }
0xc8: {  	s30 =	sadd.s32 $0x1, s30;
	[tilespmem:s31+$0x37F0] =	vst v2  }
0xc9: {  	s28 =	sadd.s32 $0x1, s28  }
0xca: {  	p1 =	sne.s32 s28, $0x19  }
.Ltmp4:
0xcb: {  	s29 =	sadd.s32 $0x1000, s29;
	(pc) =	sbr.rel @p1 .LBB2_7-.Ltmp4, $4  }
0xcc: {  	[spmem:s3] =	stream.indirect.scatter.add.f32 [tilespmem:s15], [sflag:$0x2], $0x80, s29, s19, $0xb8;
	[tilespmem:$0x19080] =	vst v63  }
0xcd: {  	_ =	swait.ge [sflag:s16], $0x2800  }
0xce: {  	[sflag:s16] =	ssyncset.done $0x0  }
0xcf: {  	[sflag:s16] =	ssyncadd.s32 $0xFFFFD800  }
0xd0: {  	s26 =	sadd.s32 $0x1, s26  }
0xd1: {  	p1 =	sne.s32 s26, $0x5  }
.Ltmp5:
0xd2: {  	_ = 	snop;
	(pc) =	sbr.rel @p1 .LBB2_6-.Ltmp5, $1  }
0xd3: {  	_ =	sdelay $0x3  }
.Ltmp6:
0xd4: {  	(pc) =	sbr.rel @!p0 .LBB2_13-.Ltmp6, $4  }
0xd5: {  	[bflag:$0x0] =	sbarrier.arrive $0xFFFF;
	s25 =	sshll.u32 s5, $0x6;
	s26 =	sshrl.u32 s14, $0x3  }
0xd6: {  	s28 =	sshrl.u32 s13, $0x3;
	s26 =	sadd.s32 s2, s26;
	s25 =	sor.u32 $0x1C02, s25  }
0xd7: {  	[hbm:s26@s22], [sflag:s25] =	dma.strided [spmem:s28@s23], $0x500, s21, $0x10   }
0xd8: {  	s29 =	smov.u32 s14;
	s26 =	sadd.s32 $0xFFFFFFFF, s10;
	s28 =	sadd.s32 $0x2800, s13  }
.LBB2_12:
0xd9: {  	_ =	swait.ge [sflag:s16], $0x500  }
0xda: {  	s29 =	sadd.s32 $0x5000, s29;
	s31 =	sshrl.u32 s28, $0x3;
	p0 =	sne.s32 s26, $0x1  }
.Ltmp7:
0xdb: {  	s30 =	sshrl.u32 s29, $0x3;
	[sflag:s16] =	ssyncset.done $0x0;
	(pc) =	sbr.rel @p0 .LBB2_12-.Ltmp7, $4  }
0xdc: {  	s30 =	sadd.s32 s2, s30;
	[sflag:s16] =	ssyncadd.s32 $0xFFFFFB00  }
0xdd: {  	[hbm:s30@s22], [sflag:s25] =	dma.strided [spmem:s31@s23], $0x500, s21, $0x10   }
0xde: {  	s26 =	sadd.s32 $0xFFFFFFFF, s26  }
0xdf: {  	s28 =	sadd.s32 $0x2800, s28  }
.LBB2_13:
0xe0: {  	s24 =	sadd.s32 $0x1, s24  }
0xe1: {  	p0 =	sne.s32 s24, s12  }
.Ltmp8:
0xe2: {  	_ = 	snop;
	(pc) =	sbr.rel @p0 .LBB2_1-.Ltmp8, $4  }
0xe3: {  	_ = 	snop  }
0xe4: {  	_ =	swait.ge [sflag:s16], $0x500  }
0xe5: {  	[sflag:s16] =	ssyncset.done $0x0  }
0xe6: {  	[sflag:s16] =	ssyncadd.s32 $0xFFFFFB00  }
0xe7: {  	_ =	sfence.sel $0x180000  }
0xe8: {  	[bflag:$0x0] =	sbarrier.arrive $0xFFFF  }
0xe9: {  	p0 =	sne.s32 s5, $0x0;
	_ =	strace $0x90000047  }
0xea: {  	s0 =	sadd.s32 @!p0 $0x100000, s0;
	[bflag:$0x2] =	sbarrier.arrive $0xFFFF  }
0xeb: {  	[sflag:s0] =	ssyncadd.tile.s32 @!p0 $0x1;
	_ =	shalt  }
.Lfunc_end2:
_tile_overlayer_lowered:
.L_overlay_start_2:
0xec: {  	(tag) =	ssettag $0x2  }
0xed: {  	s0 =	rddreg [dreg:$0x0];
	s2 =	stileid.u32  }
0xee: {  	s1 =	rddreg [dreg:$0x1];
	p0 =	sne.s32 s2, $0x0  }
0xef: {  	s3 =	rddreg [dreg:$0x2];
	[bflag:$0x3] =	sbarrier.arrive $0xFFFF;
	s2 =	simm.s32 @!p0 $0x1C02  }
0xf0: {  	[timem:s3], [sflag:s2] =	dma.local @!p0 [hbm:s0], s1  }
0xf1: {  	s0 =	simm.s32 @!p0 $0x2  }
0xf2: {  	_ =	swait.ge @!p0 [sflag:s0], s1  }
0xf3: {  	s1 =	ssub.s32 @!p0 $0x0, s1;
	[sflag:s0] =	ssyncset.done @!p0 $0x0  }
0xf4: {  	[sflag:s0] =	ssyncadd.s32 @!p0 s1  }
0xf5: {  	[bflag:$0x3] =	sbarrier.arrive $0xFFFF  }
0xf6: {  	_ =	shalt  }

</sc_bundles>
